<compile_context>
chip_gen: v7x
topology: tpu7x:2x2x1
jax: 0.10.2.dev20260603
libtpu: 0.0.44.dev20260713+nightly
codegen_flags: <defaults>
</compile_context>

<pallas_src>
import functools

import jax
import jax.numpy as jnp
from jax import lax
from jax.experimental import pallas as pl
from jax.experimental.pallas import tpu as pltpu
from jax.experimental.pallas import tpu_sc as plsc

VOCAB = 8192
EMB_D = 8192
NUM_CORES = 2
NUM_SUBCORES = 16
NW = NUM_CORES * NUM_SUBCORES
TOKENS = 4 * 2048
BPW = TOKENS // NW
K = 2
NBUF = 4
NCHUNK = BPW // K
NGROUP = NCHUNK // NBUF

_mesh = plsc.VectorSubcoreMesh(core_axis_name="c", subcore_axis_name="s")


@functools.partial(
    pl.kernel,
    mesh=_mesh,
    out_type=jax.ShapeDtypeStruct((TOKENS, EMB_D), jnp.float32),
    scratch_types=(
        [pltpu.VMEM((NCHUNK, K), jnp.int32)]
        + [pltpu.VMEM((K, EMB_D), jnp.float32) for _ in range(NBUF)]
        + [pltpu.SemaphoreType.DMA for _ in range(2 * NBUF)]
    ),
)
def _emb_gather(idx_hbm, table_hbm, out_hbm, idx_v, *rest):
    bufs = rest[:NBUF]
    gsems = rest[NBUF:2 * NBUF]
    wsems = rest[2 * NBUF:]
    wid = lax.axis_index("s") * NUM_CORES + lax.axis_index("c")
    base = wid * BPW
    pltpu.sync_copy(idx_hbm.at[wid], idx_v)

    def gather_copy(j, u):
        return pltpu.make_async_copy(
            table_hbm.at[idx_v.at[j]], bufs[u], gsems[u])

    def write_copy(j, u):
        return pltpu.make_async_copy(
            bufs[u], out_hbm.at[pl.ds(base + j * K, K)], wsems[u])

    def step(j, u, first, live_next):
        gather_copy(j, u).wait()
        write_copy(j, u).start()
        if not first:
            write_copy(j - 1, (u - 1) % NBUF).wait()
        if live_next:
            gather_copy(j + NBUF - 1, (u - 1) % NBUF).start()

    for u in range(NBUF - 1):
        gather_copy(u, u).start()
    for u in range(NBUF):
        step(u, u, u == 0, True)

    def group(g, carry):
        for u in range(NBUF):
            step(g * NBUF + u, u, False, True)
        return carry

    lax.fori_loop(1, NGROUP - 1, group, 0)

    for u in range(NBUF):
        j = (NGROUP - 1) * NBUF + u
        step(j, u, False, u == 0)
    write_copy(NCHUNK - 1, (NCHUNK - 1) % NBUF).wait()


def kernel(input_ids, embedding_weight):
    batch, seq = input_ids.shape
    idx = (input_ids.astype(jnp.int32) % VOCAB).reshape(NW, NCHUNK, K)
    out = _emb_gather(idx, embedding_weight)
    return out.reshape(batch, seq, EMB_D)

# --- scband reference (transcript-rebuilt; emitter-appended) ---
"""Pipeline reference for scband-mock-transformer-model-5643587027149 (READ-ONLY COPY).

The authoritative reference and input builder live on the scoring server;
editing this copy changes nothing except your own understanding.
"""

import jax, jax.numpy as jnp
import numpy as np

VOCAB_SIZE = 8192
BATCH = 4
SEQ = 2048

def setup_inputs(seed: int = 0) -> dict:
    key = jax.random.key(seed)
    k1, k2 = jax.random.split(key)
    input_ids = jax.random.randint(k1, (BATCH, SEQ), 0, VOCAB_SIZE, dtype=jnp.int64 if jax.config.jax_enable_x64 else jnp.int32)
    # torch.nn.Embedding default init: N(0, 1)
    embedding_weight = jax.random.normal(k2, (VOCAB_SIZE, VOCAB_SIZE), dtype=jnp.float32)
    return {"input_ids": input_ids, "embedding_weight": embedding_weight}

def reference(input_ids, embedding_weight):
    # forward: logits = embedding(input_ids % vocab_size)
    idx = input_ids % VOCAB_SIZE
    logits = jnp.take(embedding_weight, idx, axis=0)
    return logits

if __name__ == "__main__":
    import jax
    _d = setup_inputs()
    print(jax.jit(kernel)(*tuple(_d.values())))

</pallas_src>

<mosaic_0001>
#map = affine_map<(d0, d1) -> (0, 0, 0)>
#map1 = affine_map<(d0, d1) -> (0, 0)>
module attributes {stable_mosaic.version = 14 : i64} {
  func.func @_emb_gather(%arg0: i32, %arg1: i32, %arg2: memref<32x128x2xi32, #tpu.memory_space<hbm>>, %arg3: memref<8192x8192xf32, #tpu.memory_space<hbm>>, %arg4: memref<8192x8192xf32, #tpu.memory_space<hbm>>, %arg5: memref<128x2xi32, #tpu.memory_space<vmem>>, %arg6: memref<2x8192xf32, #tpu.memory_space<vmem>>, %arg7: memref<2x8192xf32, #tpu.memory_space<vmem>>, %arg8: memref<2x8192xf32, #tpu.memory_space<vmem>>, %arg9: memref<2x8192xf32, #tpu.memory_space<vmem>>, %arg10: memref<!tpu.dma_semaphore, #tpu.memory_space<semaphore_mem>>, %arg11: memref<!tpu.dma_semaphore, #tpu.memory_space<semaphore_mem>>, %arg12: memref<!tpu.dma_semaphore, #tpu.memory_space<semaphore_mem>>, %arg13: memref<!tpu.dma_semaphore, #tpu.memory_space<semaphore_mem>>, %arg14: memref<!tpu.dma_semaphore, #tpu.memory_space<semaphore_mem>>, %arg15: memref<!tpu.dma_semaphore, #tpu.memory_space<semaphore_mem>>, %arg16: memref<!tpu.dma_semaphore, #tpu.memory_space<semaphore_mem>>, %arg17: memref<!tpu.dma_semaphore, #tpu.memory_space<semaphore_mem>>) attributes {dimension_semantics = [#tpu.dimension_semantics<core_parallel>, #tpu.dimension_semantics<subcore_parallel>], iteration_bounds = array<i64: 2, 16>, scalar_prefetch = 0 : i64, scratch_operands = 13 : i64, tpu.core_type = #tpu.core_type<sc_vector_subcore>, window_params = [{transform_indices = #map}, {transform_indices = #map1}, {transform_indices = #map1}]} {
    %mul3A = arith.constant 2 : i32
    %mul3A_0 = arith.muli %arg1, %mul3A : i32
    %add3A = arith.addi %mul3A_0, %arg0 : i32
    %mul3A_1 = arith.constant 256 : i32
    %mul3A_2 = arith.muli %add3A, %mul3A_1 : i32
    "tpu.region"() ({
      %run_scoped3A = tpu.sem_alloc : memref<!tpu.dma_semaphore, #tpu.memory_space<semaphore_mem>>
      %dma_start3A_214 = arith.constant 0 : i32
      %dma_start3A_215 = arith.constant 0 : i32
      %dma_start3A_216 = tpu.memref_slice %arg2[%add3A, %dma_start3A_214, %dma_start3A_215] : memref<32x128x2xi32, #tpu.memory_space<hbm>> -> memref<1x128x2xi32, #tpu.memory_space<hbm>>
      %dma_start3A_217 = tpu.memref_squeeze %dma_start3A_216 : memref<1x128x2xi32, #tpu.memory_space<hbm>> -> memref<128x2xi32, #tpu.memory_space<hbm>>
      %dma_start3A_218 = arith.constant 0 : i32
      %dma_start3A_219 = arith.constant 0 : i32
      %dma_start3A_220 = tpu.memref_slice %arg2[%add3A, %dma_start3A_218, %dma_start3A_219] : memref<32x128x2xi32, #tpu.memory_space<hbm>> -> memref<1x128x2xi32, #tpu.memory_space<hbm>>
      %dma_start3A_221 = tpu.memref_squeeze %dma_start3A_220 : memref<1x128x2xi32, #tpu.memory_space<hbm>> -> memref<128x2xi32, #tpu.memory_space<hbm>>
      tpu.enqueue_dma source(%dma_start3A_221 : memref<128x2xi32, #tpu.memory_space<hbm>>) target(%arg5 : memref<128x2xi32, #tpu.memory_space<vmem>>) target_semaphore(%run_scoped3A : memref<!tpu.dma_semaphore, #tpu.memory_space<semaphore_mem>>)
      %dma_wait3A_222 = arith.constant 0 : i32
      %dma_wait3A_223 = arith.constant 0 : i32
      %dma_wait3A_224 = tpu.memref_slice %arg2[%add3A, %dma_wait3A_222, %dma_wait3A_223] : memref<32x128x2xi32, #tpu.memory_space<hbm>> -> memref<1x128x2xi32, #tpu.memory_space<hbm>>
      %dma_wait3A_225 = tpu.memref_squeeze %dma_wait3A_224 : memref<1x128x2xi32, #tpu.memory_space<hbm>> -> memref<128x2xi32, #tpu.memory_space<hbm>>
      %dma_wait3A_226 = arith.constant 0 : i32
      %dma_wait3A_227 = arith.constant 0 : i32
      %dma_wait3A_228 = tpu.memref_slice %arg2[%add3A, %dma_wait3A_226, %dma_wait3A_227] : memref<32x128x2xi32, #tpu.memory_space<hbm>> -> memref<1x128x2xi32, #tpu.memory_space<hbm>>
      %dma_wait3A_229 = tpu.memref_squeeze %dma_wait3A_228 : memref<1x128x2xi32, #tpu.memory_space<hbm>> -> memref<128x2xi32, #tpu.memory_space<hbm>>
      tpu.wait_dma2 semaphore(%run_scoped3A : memref<!tpu.dma_semaphore, #tpu.memory_space<semaphore_mem>>) src(%dma_wait3A_229 : memref<128x2xi32, #tpu.memory_space<hbm>>) dst(%arg5 : memref<128x2xi32, #tpu.memory_space<vmem>>)
      tpu.yield
    }) : () -> ()
    %dma_start3A = arith.constant 0 : i32
    %dma_start3A_3 = arith.constant 0 : i32
    %dma_start3A_4 = tpu.memref_slice %arg5[%dma_start3A, %dma_start3A_3] : memref<128x2xi32, #tpu.memory_space<vmem>> -> memref<1x2xi32, #tpu.memory_space<vmem>>
    %dma_start3A_5 = tpu.memref_squeeze %dma_start3A_4 : memref<1x2xi32, #tpu.memory_space<vmem>> -> memref<2xi32, #tpu.memory_space<vmem>>
    %dma_start3A_6 = arith.constant 0 : i32
    %dma_start3A_7 = arith.constant 0 : i32
    %dma_start3A_8 = tpu.memref_slice %arg3[%dma_start3A_6, %dma_start3A_7] : memref<8192x8192xf32, #tpu.memory_space<hbm>> -> memref<8192x8192xf32, #tpu.memory_space<hbm>>
    tpu.enqueue_indirect_dma source(%dma_start3A_8 : memref<8192x8192xf32, #tpu.memory_space<hbm>>) target(%arg6 : memref<2x8192xf32, #tpu.memory_space<vmem>>) offsets(%dma_start3A_5 : memref<2xi32, #tpu.memory_space<vmem>>) semaphore(%arg10 : memref<!tpu.dma_semaphore, #tpu.memory_space<semaphore_mem>>)
    %dma_start3A_9 = arith.constant 1 : i32
    %dma_start3A_10 = arith.constant 0 : i32
    %dma_start3A_11 = tpu.memref_slice %arg5[%dma_start3A_9, %dma_start3A_10] : memref<128x2xi32, #tpu.memory_space<vmem>> -> memref<1x2xi32, #tpu.memory_space<vmem>>
    %dma_start3A_12 = tpu.memref_squeeze %dma_start3A_11 : memref<1x2xi32, #tpu.memory_space<vmem>> -> memref<2xi32, #tpu.memory_space<vmem>>
    %dma_start3A_13 = arith.constant 0 : i32
    %dma_start3A_14 = arith.constant 0 : i32
    %dma_start3A_15 = tpu.memref_slice %arg3[%dma_start3A_13, %dma_start3A_14] : memref<8192x8192xf32, #tpu.memory_space<hbm>> -> memref<8192x8192xf32, #tpu.memory_space<hbm>>
    tpu.enqueue_indirect_dma source(%dma_start3A_15 : memref<8192x8192xf32, #tpu.memory_space<hbm>>) target(%arg7 : memref<2x8192xf32, #tpu.memory_space<vmem>>) offsets(%dma_start3A_12 : memref<2xi32, #tpu.memory_space<vmem>>) semaphore(%arg11 : memref<!tpu.dma_semaphore, #tpu.memory_space<semaphore_mem>>)
    %dma_start3A_16 = arith.constant 2 : i32
    %dma_start3A_17 = arith.constant 0 : i32
    %dma_start3A_18 = tpu.memref_slice %arg5[%dma_start3A_16, %dma_start3A_17] : memref<128x2xi32, #tpu.memory_space<vmem>> -> memref<1x2xi32, #tpu.memory_space<vmem>>
    %dma_start3A_19 = tpu.memref_squeeze %dma_start3A_18 : memref<1x2xi32, #tpu.memory_space<vmem>> -> memref<2xi32, #tpu.memory_space<vmem>>
    %dma_start3A_20 = arith.constant 0 : i32
    %dma_start3A_21 = arith.constant 0 : i32
    %dma_start3A_22 = tpu.memref_slice %arg3[%dma_start3A_20, %dma_start3A_21] : memref<8192x8192xf32, #tpu.memory_space<hbm>> -> memref<8192x8192xf32, #tpu.memory_space<hbm>>
    tpu.enqueue_indirect_dma source(%dma_start3A_22 : memref<8192x8192xf32, #tpu.memory_space<hbm>>) target(%arg8 : memref<2x8192xf32, #tpu.memory_space<vmem>>) offsets(%dma_start3A_19 : memref<2xi32, #tpu.memory_space<vmem>>) semaphore(%arg12 : memref<!tpu.dma_semaphore, #tpu.memory_space<semaphore_mem>>)
    %dma_wait3A = arith.constant 0 : i32
    %dma_wait3A_23 = arith.constant 0 : i32
    %dma_wait3A_24 = tpu.memref_slice %arg5[%dma_wait3A, %dma_wait3A_23] : memref<128x2xi32, #tpu.memory_space<vmem>> -> memref<1x2xi32, #tpu.memory_space<vmem>>
    %dma_wait3A_25 = tpu.memref_squeeze %dma_wait3A_24 : memref<1x2xi32, #tpu.memory_space<vmem>> -> memref<2xi32, #tpu.memory_space<vmem>>
    %dma_wait3A_26 = arith.constant 0 : i32
    %dma_wait3A_27 = arith.constant 0 : i32
    %dma_wait3A_28 = tpu.memref_slice %arg3[%dma_wait3A_26, %dma_wait3A_27] : memref<8192x8192xf32, #tpu.memory_space<hbm>> -> memref<8192x8192xf32, #tpu.memory_space<hbm>>
    tpu.wait_indirect_dma semaphore(%arg10 : memref<!tpu.dma_semaphore, #tpu.memory_space<semaphore_mem>>) src(%dma_wait3A_28 : memref<8192x8192xf32, #tpu.memory_space<hbm>>) dst(%arg6 : memref<2x8192xf32, #tpu.memory_space<vmem>>)
    %add3A_29 = arith.constant 0 : i32
    %add3A_30 = arith.addi %mul3A_2, %add3A_29 : i32
    %dma_start3A_31 = arith.constant 0 : i32
    %dma_start3A_32 = tpu.memref_slice %arg4[%add3A_30, %dma_start3A_31] : memref<8192x8192xf32, #tpu.memory_space<hbm>> -> memref<2x8192xf32, #tpu.memory_space<hbm>>
    %dma_start3A_33 = arith.constant 0 : i32
    %dma_start3A_34 = tpu.memref_slice %arg4[%add3A_30, %dma_start3A_33] : memref<8192x8192xf32, #tpu.memory_space<hbm>> -> memref<2x8192xf32, #tpu.memory_space<hbm>>
    tpu.enqueue_dma source(%arg6 : memref<2x8192xf32, #tpu.memory_space<vmem>>) target(%dma_start3A_34 : memref<2x8192xf32, #tpu.memory_space<hbm>>) target_semaphore(%arg14 : memref<!tpu.dma_semaphore, #tpu.memory_space<semaphore_mem>>)
    %dma_start3A_35 = arith.constant 3 : i32
    %dma_start3A_36 = arith.constant 0 : i32
    %dma_start3A_37 = tpu.memref_slice %arg5[%dma_start3A_35, %dma_start3A_36] : memref<128x2xi32, #tpu.memory_space<vmem>> -> memref<1x2xi32, #tpu.memory_space<vmem>>
    %dma_start3A_38 = tpu.memref_squeeze %dma_start3A_37 : memref<1x2xi32, #tpu.memory_space<vmem>> -> memref<2xi32, #tpu.memory_space<vmem>>
    %dma_start3A_39 = arith.constant 0 : i32
    %dma_start3A_40 = arith.constant 0 : i32
    %dma_start3A_41 = tpu.memref_slice %arg3[%dma_start3A_39, %dma_start3A_40] : memref<8192x8192xf32, #tpu.memory_space<hbm>> -> memref<8192x8192xf32, #tpu.memory_space<hbm>>
    tpu.enqueue_indirect_dma source(%dma_start3A_41 : memref<8192x8192xf32, #tpu.memory_space<hbm>>) target(%arg9 : memref<2x8192xf32, #tpu.memory_space<vmem>>) offsets(%dma_start3A_38 : memref<2xi32, #tpu.memory_space<vmem>>) semaphore(%arg13 : memref<!tpu.dma_semaphore, #tpu.memory_space<semaphore_mem>>)
    %dma_wait3A_42 = arith.constant 1 : i32
    %dma_wait3A_43 = arith.constant 0 : i32
    %dma_wait3A_44 = tpu.memref_slice %arg5[%dma_wait3A_42, %dma_wait3A_43] : memref<128x2xi32, #tpu.memory_space<vmem>> -> memref<1x2xi32, #tpu.memory_space<vmem>>
    %dma_wait3A_45 = tpu.memref_squeeze %dma_wait3A_44 : memref<1x2xi32, #tpu.memory_space<vmem>> -> memref<2xi32, #tpu.memory_space<vmem>>
    %dma_wait3A_46 = arith.constant 0 : i32
    %dma_wait3A_47 = arith.constant 0 : i32
    %dma_wait3A_48 = tpu.memref_slice %arg3[%dma_wait3A_46, %dma_wait3A_47] : memref<8192x8192xf32, #tpu.memory_space<hbm>> -> memref<8192x8192xf32, #tpu.memory_space<hbm>>
    tpu.wait_indirect_dma semaphore(%arg11 : memref<!tpu.dma_semaphore, #tpu.memory_space<semaphore_mem>>) src(%dma_wait3A_48 : memref<8192x8192xf32, #tpu.memory_space<hbm>>) dst(%arg7 : memref<2x8192xf32, #tpu.memory_space<vmem>>)
    %add3A_49 = arith.constant 2 : i32
    %add3A_50 = arith.addi %mul3A_2, %add3A_49 : i32
    %dma_start3A_51 = arith.constant 0 : i32
    %dma_start3A_52 = tpu.memref_slice %arg4[%add3A_50, %dma_start3A_51] : memref<8192x8192xf32, #tpu.memory_space<hbm>> -> memref<2x8192xf32, #tpu.memory_space<hbm>>
    %dma_start3A_53 = arith.constant 0 : i32
    %dma_start3A_54 = tpu.memref_slice %arg4[%add3A_50, %dma_start3A_53] : memref<8192x8192xf32, #tpu.memory_space<hbm>> -> memref<2x8192xf32, #tpu.memory_space<hbm>>
    tpu.enqueue_dma source(%arg7 : memref<2x8192xf32, #tpu.memory_space<vmem>>) target(%dma_start3A_54 : memref<2x8192xf32, #tpu.memory_space<hbm>>) target_semaphore(%arg15 : memref<!tpu.dma_semaphore, #tpu.memory_space<semaphore_mem>>)
    %add3A_55 = arith.constant 0 : i32
    %add3A_56 = arith.addi %mul3A_2, %add3A_55 : i32
    %dma_wait3A_57 = arith.constant 0 : i32
    %dma_wait3A_58 = tpu.memref_slice %arg4[%add3A_56, %dma_wait3A_57] : memref<8192x8192xf32, #tpu.memory_space<hbm>> -> memref<2x8192xf32, #tpu.memory_space<hbm>>
    %dma_wait3A_59 = arith.constant 0 : i32
    %dma_wait3A_60 = tpu.memref_slice %arg4[%add3A_56, %dma_wait3A_59] : memref<8192x8192xf32, #tpu.memory_space<hbm>> -> memref<2x8192xf32, #tpu.memory_space<hbm>>
    tpu.wait_dma2 semaphore(%arg14 : memref<!tpu.dma_semaphore, #tpu.memory_space<semaphore_mem>>) src(%arg6 : memref<2x8192xf32, #tpu.memory_space<vmem>>) dst(%dma_wait3A_60 : memref<2x8192xf32, #tpu.memory_space<hbm>>)
    %dma_start3A_61 = arith.constant 4 : i32
    %dma_start3A_62 = arith.constant 0 : i32
    %dma_start3A_63 = tpu.memref_slice %arg5[%dma_start3A_61, %dma_start3A_62] : memref<128x2xi32, #tpu.memory_space<vmem>> -> memref<1x2xi32, #tpu.memory_space<vmem>>
    %dma_start3A_64 = tpu.memref_squeeze %dma_start3A_63 : memref<1x2xi32, #tpu.memory_space<vmem>> -> memref<2xi32, #tpu.memory_space<vmem>>
    %dma_start3A_65 = arith.constant 0 : i32
    %dma_start3A_66 = arith.constant 0 : i32
    %dma_start3A_67 = tpu.memref_slice %arg3[%dma_start3A_65, %dma_start3A_66] : memref<8192x8192xf32, #tpu.memory_space<hbm>> -> memref<8192x8192xf32, #tpu.memory_space<hbm>>
    tpu.enqueue_indirect_dma source(%dma_start3A_67 : memref<8192x8192xf32, #tpu.memory_space<hbm>>) target(%arg6 : memref<2x8192xf32, #tpu.memory_space<vmem>>) offsets(%dma_start3A_64 : memref<2xi32, #tpu.memory_space<vmem>>) semaphore(%arg10 : memref<!tpu.dma_semaphore, #tpu.memory_space<semaphore_mem>>)
    %dma_wait3A_68 = arith.constant 2 : i32
    %dma_wait3A_69 = arith.constant 0 : i32
    %dma_wait3A_70 = tpu.memref_slice %arg5[%dma_wait3A_68, %dma_wait3A_69] : memref<128x2xi32, #tpu.memory_space<vmem>> -> memref<1x2xi32, #tpu.memory_space<vmem>>
    %dma_wait3A_71 = tpu.memref_squeeze %dma_wait3A_70 : memref<1x2xi32, #tpu.memory_space<vmem>> -> memref<2xi32, #tpu.memory_space<vmem>>
    %dma_wait3A_72 = arith.constant 0 : i32
    %dma_wait3A_73 = arith.constant 0 : i32
    %dma_wait3A_74 = tpu.memref_slice %arg3[%dma_wait3A_72, %dma_wait3A_73] : memref<8192x8192xf32, #tpu.memory_space<hbm>> -> memref<8192x8192xf32, #tpu.memory_space<hbm>>
    tpu.wait_indirect_dma semaphore(%arg12 : memref<!tpu.dma_semaphore, #tpu.memory_space<semaphore_mem>>) src(%dma_wait3A_74 : memref<8192x8192xf32, #tpu.memory_space<hbm>>) dst(%arg8 : memref<2x8192xf32, #tpu.memory_space<vmem>>)
    %add3A_75 = arith.constant 4 : i32
    %add3A_76 = arith.addi %mul3A_2, %add3A_75 : i32
    %dma_start3A_77 = arith.constant 0 : i32
    %dma_start3A_78 = tpu.memref_slice %arg4[%add3A_76, %dma_start3A_77] : memref<8192x8192xf32, #tpu.memory_space<hbm>> -> memref<2x8192xf32, #tpu.memory_space<hbm>>
    %dma_start3A_79 = arith.constant 0 : i32
    %dma_start3A_80 = tpu.memref_slice %arg4[%add3A_76, %dma_start3A_79] : memref<8192x8192xf32, #tpu.memory_space<hbm>> -> memref<2x8192xf32, #tpu.memory_space<hbm>>
    tpu.enqueue_dma source(%arg8 : memref<2x8192xf32, #tpu.memory_space<vmem>>) target(%dma_start3A_80 : memref<2x8192xf32, #tpu.memory_space<hbm>>) target_semaphore(%arg16 : memref<!tpu.dma_semaphore, #tpu.memory_space<semaphore_mem>>)
    %add3A_81 = arith.constant 2 : i32
    %add3A_82 = arith.addi %mul3A_2, %add3A_81 : i32
    %dma_wait3A_83 = arith.constant 0 : i32
    %dma_wait3A_84 = tpu.memref_slice %arg4[%add3A_82, %dma_wait3A_83] : memref<8192x8192xf32, #tpu.memory_space<hbm>> -> memref<2x8192xf32, #tpu.memory_space<hbm>>
    %dma_wait3A_85 = arith.constant 0 : i32
    %dma_wait3A_86 = tpu.memref_slice %arg4[%add3A_82, %dma_wait3A_85] : memref<8192x8192xf32, #tpu.memory_space<hbm>> -> memref<2x8192xf32, #tpu.memory_space<hbm>>
    tpu.wait_dma2 semaphore(%arg15 : memref<!tpu.dma_semaphore, #tpu.memory_space<semaphore_mem>>) src(%arg7 : memref<2x8192xf32, #tpu.memory_space<vmem>>) dst(%dma_wait3A_86 : memref<2x8192xf32, #tpu.memory_space<hbm>>)
    %dma_start3A_87 = arith.constant 5 : i32
    %dma_start3A_88 = arith.constant 0 : i32
    %dma_start3A_89 = tpu.memref_slice %arg5[%dma_start3A_87, %dma_start3A_88] : memref<128x2xi32, #tpu.memory_space<vmem>> -> memref<1x2xi32, #tpu.memory_space<vmem>>
    %dma_start3A_90 = tpu.memref_squeeze %dma_start3A_89 : memref<1x2xi32, #tpu.memory_space<vmem>> -> memref<2xi32, #tpu.memory_space<vmem>>
    %dma_start3A_91 = arith.constant 0 : i32
    %dma_start3A_92 = arith.constant 0 : i32
    %dma_start3A_93 = tpu.memref_slice %arg3[%dma_start3A_91, %dma_start3A_92] : memref<8192x8192xf32, #tpu.memory_space<hbm>> -> memref<8192x8192xf32, #tpu.memory_space<hbm>>
    tpu.enqueue_indirect_dma source(%dma_start3A_93 : memref<8192x8192xf32, #tpu.memory_space<hbm>>) target(%arg7 : memref<2x8192xf32, #tpu.memory_space<vmem>>) offsets(%dma_start3A_90 : memref<2xi32, #tpu.memory_space<vmem>>) semaphore(%arg11 : memref<!tpu.dma_semaphore, #tpu.memory_space<semaphore_mem>>)
    %dma_wait3A_94 = arith.constant 3 : i32
    %dma_wait3A_95 = arith.constant 0 : i32
    %dma_wait3A_96 = tpu.memref_slice %arg5[%dma_wait3A_94, %dma_wait3A_95] : memref<128x2xi32, #tpu.memory_space<vmem>> -> memref<1x2xi32, #tpu.memory_space<vmem>>
    %dma_wait3A_97 = tpu.memref_squeeze %dma_wait3A_96 : memref<1x2xi32, #tpu.memory_space<vmem>> -> memref<2xi32, #tpu.memory_space<vmem>>
    %dma_wait3A_98 = arith.constant 0 : i32
    %dma_wait3A_99 = arith.constant 0 : i32
    %dma_wait3A_100 = tpu.memref_slice %arg3[%dma_wait3A_98, %dma_wait3A_99] : memref<8192x8192xf32, #tpu.memory_space<hbm>> -> memref<8192x8192xf32, #tpu.memory_space<hbm>>
    tpu.wait_indirect_dma semaphore(%arg13 : memref<!tpu.dma_semaphore, #tpu.memory_space<semaphore_mem>>) src(%dma_wait3A_100 : memref<8192x8192xf32, #tpu.memory_space<hbm>>) dst(%arg9 : memref<2x8192xf32, #tpu.memory_space<vmem>>)
    %add3A_101 = arith.constant 6 : i32
    %add3A_102 = arith.addi %mul3A_2, %add3A_101 : i32
    %dma_start3A_103 = arith.constant 0 : i32
    %dma_start3A_104 = tpu.memref_slice %arg4[%add3A_102, %dma_start3A_103] : memref<8192x8192xf32, #tpu.memory_space<hbm>> -> memref<2x8192xf32, #tpu.memory_space<hbm>>
    %dma_start3A_105 = arith.constant 0 : i32
    %dma_start3A_106 = tpu.memref_slice %arg4[%add3A_102, %dma_start3A_105] : memref<8192x8192xf32, #tpu.memory_space<hbm>> -> memref<2x8192xf32, #tpu.memory_space<hbm>>
    tpu.enqueue_dma source(%arg9 : memref<2x8192xf32, #tpu.memory_space<vmem>>) target(%dma_start3A_106 : memref<2x8192xf32, #tpu.memory_space<hbm>>) target_semaphore(%arg17 : memref<!tpu.dma_semaphore, #tpu.memory_space<semaphore_mem>>)
    %add3A_107 = arith.constant 4 : i32
    %add3A_108 = arith.addi %mul3A_2, %add3A_107 : i32
    %dma_wait3A_109 = arith.constant 0 : i32
    %dma_wait3A_110 = tpu.memref_slice %arg4[%add3A_108, %dma_wait3A_109] : memref<8192x8192xf32, #tpu.memory_space<hbm>> -> memref<2x8192xf32, #tpu.memory_space<hbm>>
    %dma_wait3A_111 = arith.constant 0 : i32
    %dma_wait3A_112 = tpu.memref_slice %arg4[%add3A_108, %dma_wait3A_111] : memref<8192x8192xf32, #tpu.memory_space<hbm>> -> memref<2x8192xf32, #tpu.memory_space<hbm>>
    tpu.wait_dma2 semaphore(%arg16 : memref<!tpu.dma_semaphore, #tpu.memory_space<semaphore_mem>>) src(%arg8 : memref<2x8192xf32, #tpu.memory_space<vmem>>) dst(%dma_wait3A_112 : memref<2x8192xf32, #tpu.memory_space<hbm>>)
    %dma_start3A_113 = arith.constant 6 : i32
    %dma_start3A_114 = arith.constant 0 : i32
    %dma_start3A_115 = tpu.memref_slice %arg5[%dma_start3A_113, %dma_start3A_114] : memref<128x2xi32, #tpu.memory_space<vmem>> -> memref<1x2xi32, #tpu.memory_space<vmem>>
    %dma_start3A_116 = tpu.memref_squeeze %dma_start3A_115 : memref<1x2xi32, #tpu.memory_space<vmem>> -> memref<2xi32, #tpu.memory_space<vmem>>
    %dma_start3A_117 = arith.constant 0 : i32
    %dma_start3A_118 = arith.constant 0 : i32
    %dma_start3A_119 = tpu.memref_slice %arg3[%dma_start3A_117, %dma_start3A_118] : memref<8192x8192xf32, #tpu.memory_space<hbm>> -> memref<8192x8192xf32, #tpu.memory_space<hbm>>
    tpu.enqueue_indirect_dma source(%dma_start3A_119 : memref<8192x8192xf32, #tpu.memory_space<hbm>>) target(%arg8 : memref<2x8192xf32, #tpu.memory_space<vmem>>) offsets(%dma_start3A_116 : memref<2xi32, #tpu.memory_space<vmem>>) semaphore(%arg12 : memref<!tpu.dma_semaphore, #tpu.memory_space<semaphore_mem>>)
    %scan3A = arith.constant 0 : i32
    %scan3A_120 = arith.constant 1 : i32
    %scan3A_121 = arith.constant 30 : i32
    %scan3A_122 = arith.addi %scan3A_120, %scan3A_121 : i32
    %scan3A_123 = arith.constant 1 : i32
    scf.for %scan3A_214 = %scan3A_120 to %scan3A_122 step %scan3A_123  : i32 {
      %mul3A_215 = arith.constant 4 : i32
      %mul3A_216 = arith.muli %scan3A_214, %mul3A_215 : i32
      %add3A_217 = arith.constant 0 : i32
      %add3A_218 = arith.addi %mul3A_216, %add3A_217 : i32
      %dma_wait3A_219 = arith.constant 0 : i32
      %dma_wait3A_220 = tpu.memref_slice %arg5[%add3A_218, %dma_wait3A_219] : memref<128x2xi32, #tpu.memory_space<vmem>> -> memref<1x2xi32, #tpu.memory_space<vmem>>
      %dma_wait3A_221 = tpu.memref_squeeze %dma_wait3A_220 : memref<1x2xi32, #tpu.memory_space<vmem>> -> memref<2xi32, #tpu.memory_space<vmem>>
      %dma_wait3A_222 = arith.constant 0 : i32
      %dma_wait3A_223 = arith.constant 0 : i32
      %dma_wait3A_224 = tpu.memref_slice %arg3[%dma_wait3A_222, %dma_wait3A_223] : memref<8192x8192xf32, #tpu.memory_space<hbm>> -> memref<8192x8192xf32, #tpu.memory_space<hbm>>
      tpu.wait_indirect_dma semaphore(%arg10 : memref<!tpu.dma_semaphore, #tpu.memory_space<semaphore_mem>>) src(%dma_wait3A_224 : memref<8192x8192xf32, #tpu.memory_space<hbm>>) dst(%arg6 : memref<2x8192xf32, #tpu.memory_space<vmem>>)
      %mul3A_225 = arith.constant 2 : i32
      %mul3A_226 = arith.muli %add3A_218, %mul3A_225 : i32
      %add3A_227 = arith.addi %mul3A_2, %mul3A_226 : i32
      %dma_start3A_228 = arith.constant 0 : i32
      %dma_start3A_229 = tpu.memref_slice %arg4[%add3A_227, %dma_start3A_228] : memref<8192x8192xf32, #tpu.memory_space<hbm>> -> memref<2x8192xf32, #tpu.memory_space<hbm>>
      %dma_start3A_230 = arith.constant 0 : i32
      %dma_start3A_231 = tpu.memref_slice %arg4[%add3A_227, %dma_start3A_230] : memref<8192x8192xf32, #tpu.memory_space<hbm>> -> memref<2x8192xf32, #tpu.memory_space<hbm>>
      tpu.enqueue_dma source(%arg6 : memref<2x8192xf32, #tpu.memory_space<vmem>>) target(%dma_start3A_231 : memref<2x8192xf32, #tpu.memory_space<hbm>>) target_semaphore(%arg14 : memref<!tpu.dma_semaphore, #tpu.memory_space<semaphore_mem>>)
      %sub3A = arith.constant 1 : i32
      %sub3A_232 = arith.subi %add3A_218, %sub3A : i32
      %mul3A_233 = arith.constant 2 : i32
      %mul3A_234 = arith.muli %sub3A_232, %mul3A_233 : i32
      %add3A_235 = arith.addi %mul3A_2, %mul3A_234 : i32
      %dma_wait3A_236 = arith.constant 0 : i32
      %dma_wait3A_237 = tpu.memref_slice %arg4[%add3A_235, %dma_wait3A_236] : memref<8192x8192xf32, #tpu.memory_space<hbm>> -> memref<2x8192xf32, #tpu.memory_space<hbm>>
      %dma_wait3A_238 = arith.constant 0 : i32
      %dma_wait3A_239 = tpu.memref_slice %arg4[%add3A_235, %dma_wait3A_238] : memref<8192x8192xf32, #tpu.memory_space<hbm>> -> memref<2x8192xf32, #tpu.memory_space<hbm>>
      tpu.wait_dma2 semaphore(%arg17 : memref<!tpu.dma_semaphore, #tpu.memory_space<semaphore_mem>>) src(%arg9 : memref<2x8192xf32, #tpu.memory_space<vmem>>) dst(%dma_wait3A_239 : memref<2x8192xf32, #tpu.memory_space<hbm>>)
      %add3A_240 = arith.constant 4 : i32
      %add3A_241 = arith.addi %add3A_218, %add3A_240 : i32
      %sub3A_242 = arith.constant 1 : i32
      %sub3A_243 = arith.subi %add3A_241, %sub3A_242 : i32
      %dma_start3A_244 = arith.constant 0 : i32
      %dma_start3A_245 = tpu.memref_slice %arg5[%sub3A_243, %dma_start3A_244] : memref<128x2xi32, #tpu.memory_space<vmem>> -> memref<1x2xi32, #tpu.memory_space<vmem>>
      %dma_start3A_246 = tpu.memref_squeeze %dma_start3A_245 : memref<1x2xi32, #tpu.memory_space<vmem>> -> memref<2xi32, #tpu.memory_space<vmem>>
      %dma_start3A_247 = arith.constant 0 : i32
      %dma_start3A_248 = arith.constant 0 : i32
      %dma_start3A_249 = tpu.memref_slice %arg3[%dma_start3A_247, %dma_start3A_248] : memref<8192x8192xf32, #tpu.memory_space<hbm>> -> memref<8192x8192xf32, #tpu.memory_space<hbm>>
      tpu.enqueue_indirect_dma source(%dma_start3A_249 : memref<8192x8192xf32, #tpu.memory_space<hbm>>) target(%arg9 : memref<2x8192xf32, #tpu.memory_space<vmem>>) offsets(%dma_start3A_246 : memref<2xi32, #tpu.memory_space<vmem>>) semaphore(%arg13 : memref<!tpu.dma_semaphore, #tpu.memory_space<semaphore_mem>>)
      %mul3A_250 = arith.constant 4 : i32
      %mul3A_251 = arith.muli %scan3A_214, %mul3A_250 : i32
      %add3A_252 = arith.constant 1 : i32
      %add3A_253 = arith.addi %mul3A_251, %add3A_252 : i32
      %dma_wait3A_254 = arith.constant 0 : i32
      %dma_wait3A_255 = tpu.memref_slice %arg5[%add3A_253, %dma_wait3A_254] : memref<128x2xi32, #tpu.memory_space<vmem>> -> memref<1x2xi32, #tpu.memory_space<vmem>>
      %dma_wait3A_256 = tpu.memref_squeeze %dma_wait3A_255 : memref<1x2xi32, #tpu.memory_space<vmem>> -> memref<2xi32, #tpu.memory_space<vmem>>
      %dma_wait3A_257 = arith.constant 0 : i32
      %dma_wait3A_258 = arith.constant 0 : i32
      %dma_wait3A_259 = tpu.memref_slice %arg3[%dma_wait3A_257, %dma_wait3A_258] : memref<8192x8192xf32, #tpu.memory_space<hbm>> -> memref<8192x8192xf32, #tpu.memory_space<hbm>>
      tpu.wait_indirect_dma semaphore(%arg11 : memref<!tpu.dma_semaphore, #tpu.memory_space<semaphore_mem>>) src(%dma_wait3A_259 : memref<8192x8192xf32, #tpu.memory_space<hbm>>) dst(%arg7 : memref<2x8192xf32, #tpu.memory_space<vmem>>)
      %mul3A_260 = arith.constant 2 : i32
      %mul3A_261 = arith.muli %add3A_253, %mul3A_260 : i32
      %add3A_262 = arith.addi %mul3A_2, %mul3A_261 : i32
      %dma_start3A_263 = arith.constant 0 : i32
      %dma_start3A_264 = tpu.memref_slice %arg4[%add3A_262, %dma_start3A_263] : memref<8192x8192xf32, #tpu.memory_space<hbm>> -> memref<2x8192xf32, #tpu.memory_space<hbm>>
      %dma_start3A_265 = arith.constant 0 : i32
      %dma_start3A_266 = tpu.memref_slice %arg4[%add3A_262, %dma_start3A_265] : memref<8192x8192xf32, #tpu.memory_space<hbm>> -> memref<2x8192xf32, #tpu.memory_space<hbm>>
      tpu.enqueue_dma source(%arg7 : memref<2x8192xf32, #tpu.memory_space<vmem>>) target(%dma_start3A_266 : memref<2x8192xf32, #tpu.memory_space<hbm>>) target_semaphore(%arg15 : memref<!tpu.dma_semaphore, #tpu.memory_space<semaphore_mem>>)
      %sub3A_267 = arith.constant 1 : i32
      %sub3A_268 = arith.subi %add3A_253, %sub3A_267 : i32
      %mul3A_269 = arith.constant 2 : i32
      %mul3A_270 = arith.muli %sub3A_268, %mul3A_269 : i32
      %add3A_271 = arith.addi %mul3A_2, %mul3A_270 : i32
      %dma_wait3A_272 = arith.constant 0 : i32
      %dma_wait3A_273 = tpu.memref_slice %arg4[%add3A_271, %dma_wait3A_272] : memref<8192x8192xf32, #tpu.memory_space<hbm>> -> memref<2x8192xf32, #tpu.memory_space<hbm>>
      %dma_wait3A_274 = arith.constant 0 : i32
      %dma_wait3A_275 = tpu.memref_slice %arg4[%add3A_271, %dma_wait3A_274] : memref<8192x8192xf32, #tpu.memory_space<hbm>> -> memref<2x8192xf32, #tpu.memory_space<hbm>>
      tpu.wait_dma2 semaphore(%arg14 : memref<!tpu.dma_semaphore, #tpu.memory_space<semaphore_mem>>) src(%arg6 : memref<2x8192xf32, #tpu.memory_space<vmem>>) dst(%dma_wait3A_275 : memref<2x8192xf32, #tpu.memory_space<hbm>>)
      %add3A_276 = arith.constant 4 : i32
      %add3A_277 = arith.addi %add3A_253, %add3A_276 : i32
      %sub3A_278 = arith.constant 1 : i32
      %sub3A_279 = arith.subi %add3A_277, %sub3A_278 : i32
      %dma_start3A_280 = arith.constant 0 : i32
      %dma_start3A_281 = tpu.memref_slice %arg5[%sub3A_279, %dma_start3A_280] : memref<128x2xi32, #tpu.memory_space<vmem>> -> memref<1x2xi32, #tpu.memory_space<vmem>>
      %dma_start3A_282 = tpu.memref_squeeze %dma_start3A_281 : memref<1x2xi32, #tpu.memory_space<vmem>> -> memref<2xi32, #tpu.memory_space<vmem>>
      %dma_start3A_283 = arith.constant 0 : i32
      %dma_start3A_284 = arith.constant 0 : i32
      %dma_start3A_285 = tpu.memref_slice %arg3[%dma_start3A_283, %dma_start3A_284] : memref<8192x8192xf32, #tpu.memory_space<hbm>> -> memref<8192x8192xf32, #tpu.memory_space<hbm>>
      tpu.enqueue_indirect_dma source(%dma_start3A_285 : memref<8192x8192xf32, #tpu.memory_space<hbm>>) target(%arg6 : memref<2x8192xf32, #tpu.memory_space<vmem>>) offsets(%dma_start3A_282 : memref<2xi32, #tpu.memory_space<vmem>>) semaphore(%arg10 : memref<!tpu.dma_semaphore, #tpu.memory_space<semaphore_mem>>)
      %mul3A_286 = arith.constant 4 : i32
      %mul3A_287 = arith.muli %scan3A_214, %mul3A_286 : i32
      %add3A_288 = arith.constant 2 : i32
      %add3A_289 = arith.addi %mul3A_287, %add3A_288 : i32
      %dma_wait3A_290 = arith.constant 0 : i32
      %dma_wait3A_291 = tpu.memref_slice %arg5[%add3A_289, %dma_wait3A_290] : memref<128x2xi32, #tpu.memory_space<vmem>> -> memref<1x2xi32, #tpu.memory_space<vmem>>
      %dma_wait3A_292 = tpu.memref_squeeze %dma_wait3A_291 : memref<1x2xi32, #tpu.memory_space<vmem>> -> memref<2xi32, #tpu.memory_space<vmem>>
      %dma_wait3A_293 = arith.constant 0 : i32
      %dma_wait3A_294 = arith.constant 0 : i32
      %dma_wait3A_295 = tpu.memref_slice %arg3[%dma_wait3A_293, %dma_wait3A_294] : memref<8192x8192xf32, #tpu.memory_space<hbm>> -> memref<8192x8192xf32, #tpu.memory_space<hbm>>
      tpu.wait_indirect_dma semaphore(%arg12 : memref<!tpu.dma_semaphore, #tpu.memory_space<semaphore_mem>>) src(%dma_wait3A_295 : memref<8192x8192xf32, #tpu.memory_space<hbm>>) dst(%arg8 : memref<2x8192xf32, #tpu.memory_space<vmem>>)
      %mul3A_296 = arith.constant 2 : i32
      %mul3A_297 = arith.muli %add3A_289, %mul3A_296 : i32
      %add3A_298 = arith.addi %mul3A_2, %mul3A_297 : i32
      %dma_start3A_299 = arith.constant 0 : i32
      %dma_start3A_300 = tpu.memref_slice %arg4[%add3A_298, %dma_start3A_299] : memref<8192x8192xf32, #tpu.memory_space<hbm>> -> memref<2x8192xf32, #tpu.memory_space<hbm>>
      %dma_start3A_301 = arith.constant 0 : i32
      %dma_start3A_302 = tpu.memref_slice %arg4[%add3A_298, %dma_start3A_301] : memref<8192x8192xf32, #tpu.memory_space<hbm>> -> memref<2x8192xf32, #tpu.memory_space<hbm>>
      tpu.enqueue_dma source(%arg8 : memref<2x8192xf32, #tpu.memory_space<vmem>>) target(%dma_start3A_302 : memref<2x8192xf32, #tpu.memory_space<hbm>>) target_semaphore(%arg16 : memref<!tpu.dma_semaphore, #tpu.memory_space<semaphore_mem>>)
      %sub3A_303 = arith.constant 1 : i32
      %sub3A_304 = arith.subi %add3A_289, %sub3A_303 : i32
      %mul3A_305 = arith.constant 2 : i32
      %mul3A_306 = arith.muli %sub3A_304, %mul3A_305 : i32
      %add3A_307 = arith.addi %mul3A_2, %mul3A_306 : i32
      %dma_wait3A_308 = arith.constant 0 : i32
      %dma_wait3A_309 = tpu.memref_slice %arg4[%add3A_307, %dma_wait3A_308] : memref<8192x8192xf32, #tpu.memory_space<hbm>> -> memref<2x8192xf32, #tpu.memory_space<hbm>>
      %dma_wait3A_310 = arith.constant 0 : i32
      %dma_wait3A_311 = tpu.memref_slice %arg4[%add3A_307, %dma_wait3A_310] : memref<8192x8192xf32, #tpu.memory_space<hbm>> -> memref<2x8192xf32, #tpu.memory_space<hbm>>
      tpu.wait_dma2 semaphore(%arg15 : memref<!tpu.dma_semaphore, #tpu.memory_space<semaphore_mem>>) src(%arg7 : memref<2x8192xf32, #tpu.memory_space<vmem>>) dst(%dma_wait3A_311 : memref<2x8192xf32, #tpu.memory_space<hbm>>)
      %add3A_312 = arith.constant 4 : i32
      %add3A_313 = arith.addi %add3A_289, %add3A_312 : i32
      %sub3A_314 = arith.constant 1 : i32
      %sub3A_315 = arith.subi %add3A_313, %sub3A_314 : i32
      %dma_start3A_316 = arith.constant 0 : i32
      %dma_start3A_317 = tpu.memref_slice %arg5[%sub3A_315, %dma_start3A_316] : memref<128x2xi32, #tpu.memory_space<vmem>> -> memref<1x2xi32, #tpu.memory_space<vmem>>
      %dma_start3A_318 = tpu.memref_squeeze %dma_start3A_317 : memref<1x2xi32, #tpu.memory_space<vmem>> -> memref<2xi32, #tpu.memory_space<vmem>>
      %dma_start3A_319 = arith.constant 0 : i32
      %dma_start3A_320 = arith.constant 0 : i32
      %dma_start3A_321 = tpu.memref_slice %arg3[%dma_start3A_319, %dma_start3A_320] : memref<8192x8192xf32, #tpu.memory_space<hbm>> -> memref<8192x8192xf32, #tpu.memory_space<hbm>>
      tpu.enqueue_indirect_dma source(%dma_start3A_321 : memref<8192x8192xf32, #tpu.memory_space<hbm>>) target(%arg7 : memref<2x8192xf32, #tpu.memory_space<vmem>>) offsets(%dma_start3A_318 : memref<2xi32, #tpu.memory_space<vmem>>) semaphore(%arg11 : memref<!tpu.dma_semaphore, #tpu.memory_space<semaphore_mem>>)
      %mul3A_322 = arith.constant 4 : i32
      %mul3A_323 = arith.muli %scan3A_214, %mul3A_322 : i32
      %add3A_324 = arith.constant 3 : i32
      %add3A_325 = arith.addi %mul3A_323, %add3A_324 : i32
      %dma_wait3A_326 = arith.constant 0 : i32
      %dma_wait3A_327 = tpu.memref_slice %arg5[%add3A_325, %dma_wait3A_326] : memref<128x2xi32, #tpu.memory_space<vmem>> -> memref<1x2xi32, #tpu.memory_space<vmem>>
      %dma_wait3A_328 = tpu.memref_squeeze %dma_wait3A_327 : memref<1x2xi32, #tpu.memory_space<vmem>> -> memref<2xi32, #tpu.memory_space<vmem>>
      %dma_wait3A_329 = arith.constant 0 : i32
      %dma_wait3A_330 = arith.constant 0 : i32
      %dma_wait3A_331 = tpu.memref_slice %arg3[%dma_wait3A_329, %dma_wait3A_330] : memref<8192x8192xf32, #tpu.memory_space<hbm>> -> memref<8192x8192xf32, #tpu.memory_space<hbm>>
      tpu.wait_indirect_dma semaphore(%arg13 : memref<!tpu.dma_semaphore, #tpu.memory_space<semaphore_mem>>) src(%dma_wait3A_331 : memref<8192x8192xf32, #tpu.memory_space<hbm>>) dst(%arg9 : memref<2x8192xf32, #tpu.memory_space<vmem>>)
      %mul3A_332 = arith.constant 2 : i32
      %mul3A_333 = arith.muli %add3A_325, %mul3A_332 : i32
      %add3A_334 = arith.addi %mul3A_2, %mul3A_333 : i32
      %dma_start3A_335 = arith.constant 0 : i32
      %dma_start3A_336 = tpu.memref_slice %arg4[%add3A_334, %dma_start3A_335] : memref<8192x8192xf32, #tpu.memory_space<hbm>> -> memref<2x8192xf32, #tpu.memory_space<hbm>>
      %dma_start3A_337 = arith.constant 0 : i32
      %dma_start3A_338 = tpu.memref_slice %arg4[%add3A_334, %dma_start3A_337] : memref<8192x8192xf32, #tpu.memory_space<hbm>> -> memref<2x8192xf32, #tpu.memory_space<hbm>>
      tpu.enqueue_dma source(%arg9 : memref<2x8192xf32, #tpu.memory_space<vmem>>) target(%dma_start3A_338 : memref<2x8192xf32, #tpu.memory_space<hbm>>) target_semaphore(%arg17 : memref<!tpu.dma_semaphore, #tpu.memory_space<semaphore_mem>>)
      %sub3A_339 = arith.constant 1 : i32
      %sub3A_340 = arith.subi %add3A_325, %sub3A_339 : i32
      %mul3A_341 = arith.constant 2 : i32
      %mul3A_342 = arith.muli %sub3A_340, %mul3A_341 : i32
      %add3A_343 = arith.addi %mul3A_2, %mul3A_342 : i32
      %dma_wait3A_344 = arith.constant 0 : i32
      %dma_wait3A_345 = tpu.memref_slice %arg4[%add3A_343, %dma_wait3A_344] : memref<8192x8192xf32, #tpu.memory_space<hbm>> -> memref<2x8192xf32, #tpu.memory_space<hbm>>
      %dma_wait3A_346 = arith.constant 0 : i32
      %dma_wait3A_347 = tpu.memref_slice %arg4[%add3A_343, %dma_wait3A_346] : memref<8192x8192xf32, #tpu.memory_space<hbm>> -> memref<2x8192xf32, #tpu.memory_space<hbm>>
      tpu.wait_dma2 semaphore(%arg16 : memref<!tpu.dma_semaphore, #tpu.memory_space<semaphore_mem>>) src(%arg8 : memref<2x8192xf32, #tpu.memory_space<vmem>>) dst(%dma_wait3A_347 : memref<2x8192xf32, #tpu.memory_space<hbm>>)
      %add3A_348 = arith.constant 4 : i32
      %add3A_349 = arith.addi %add3A_325, %add3A_348 : i32
      %sub3A_350 = arith.constant 1 : i32
      %sub3A_351 = arith.subi %add3A_349, %sub3A_350 : i32
      %dma_start3A_352 = arith.constant 0 : i32
      %dma_start3A_353 = tpu.memref_slice %arg5[%sub3A_351, %dma_start3A_352] : memref<128x2xi32, #tpu.memory_space<vmem>> -> memref<1x2xi32, #tpu.memory_space<vmem>>
      %dma_start3A_354 = tpu.memref_squeeze %dma_start3A_353 : memref<1x2xi32, #tpu.memory_space<vmem>> -> memref<2xi32, #tpu.memory_space<vmem>>
      %dma_start3A_355 = arith.constant 0 : i32
      %dma_start3A_356 = arith.constant 0 : i32
      %dma_start3A_357 = tpu.memref_slice %arg3[%dma_start3A_355, %dma_start3A_356] : memref<8192x8192xf32, #tpu.memory_space<hbm>> -> memref<8192x8192xf32, #tpu.memory_space<hbm>>
      tpu.enqueue_indirect_dma source(%dma_start3A_357 : memref<8192x8192xf32, #tpu.memory_space<hbm>>) target(%arg8 : memref<2x8192xf32, #tpu.memory_space<vmem>>) offsets(%dma_start3A_354 : memref<2xi32, #tpu.memory_space<vmem>>) semaphore(%arg12 : memref<!tpu.dma_semaphore, #tpu.memory_space<semaphore_mem>>)
    }
    %scan3A_124 = arith.constant 30 : i32
    %dma_wait3A_125 = arith.constant 124 : i32
    %dma_wait3A_126 = arith.constant 0 : i32
    %dma_wait3A_127 = tpu.memref_slice %arg5[%dma_wait3A_125, %dma_wait3A_126] : memref<128x2xi32, #tpu.memory_space<vmem>> -> memref<1x2xi32, #tpu.memory_space<vmem>>
    %dma_wait3A_128 = tpu.memref_squeeze %dma_wait3A_127 : memref<1x2xi32, #tpu.memory_space<vmem>> -> memref<2xi32, #tpu.memory_space<vmem>>
    %dma_wait3A_129 = arith.constant 0 : i32
    %dma_wait3A_130 = arith.constant 0 : i32
    %dma_wait3A_131 = tpu.memref_slice %arg3[%dma_wait3A_129, %dma_wait3A_130] : memref<8192x8192xf32, #tpu.memory_space<hbm>> -> memref<8192x8192xf32, #tpu.memory_space<hbm>>
    tpu.wait_indirect_dma semaphore(%arg10 : memref<!tpu.dma_semaphore, #tpu.memory_space<semaphore_mem>>) src(%dma_wait3A_131 : memref<8192x8192xf32, #tpu.memory_space<hbm>>) dst(%arg6 : memref<2x8192xf32, #tpu.memory_space<vmem>>)
    %add3A_132 = arith.constant 248 : i32
    %add3A_133 = arith.addi %mul3A_2, %add3A_132 : i32
    %dma_start3A_134 = arith.constant 0 : i32
    %dma_start3A_135 = tpu.memref_slice %arg4[%add3A_133, %dma_start3A_134] : memref<8192x8192xf32, #tpu.memory_space<hbm>> -> memref<2x8192xf32, #tpu.memory_space<hbm>>
    %dma_start3A_136 = arith.constant 0 : i32
    %dma_start3A_137 = tpu.memref_slice %arg4[%add3A_133, %dma_start3A_136] : memref<8192x8192xf32, #tpu.memory_space<hbm>> -> memref<2x8192xf32, #tpu.memory_space<hbm>>
    tpu.enqueue_dma source(%arg6 : memref<2x8192xf32, #tpu.memory_space<vmem>>) target(%dma_start3A_137 : memref<2x8192xf32, #tpu.memory_space<hbm>>) target_semaphore(%arg14 : memref<!tpu.dma_semaphore, #tpu.memory_space<semaphore_mem>>)
    %add3A_138 = arith.constant 246 : i32
    %add3A_139 = arith.addi %mul3A_2, %add3A_138 : i32
    %dma_wait3A_140 = arith.constant 0 : i32
    %dma_wait3A_141 = tpu.memref_slice %arg4[%add3A_139, %dma_wait3A_140] : memref<8192x8192xf32, #tpu.memory_space<hbm>> -> memref<2x8192xf32, #tpu.memory_space<hbm>>
    %dma_wait3A_142 = arith.constant 0 : i32
    %dma_wait3A_143 = tpu.memref_slice %arg4[%add3A_139, %dma_wait3A_142] : memref<8192x8192xf32, #tpu.memory_space<hbm>> -> memref<2x8192xf32, #tpu.memory_space<hbm>>
    tpu.wait_dma2 semaphore(%arg17 : memref<!tpu.dma_semaphore, #tpu.memory_space<semaphore_mem>>) src(%arg9 : memref<2x8192xf32, #tpu.memory_space<vmem>>) dst(%dma_wait3A_143 : memref<2x8192xf32, #tpu.memory_space<hbm>>)
    %dma_start3A_144 = arith.constant 127 : i32
    %dma_start3A_145 = arith.constant 0 : i32
    %dma_start3A_146 = tpu.memref_slice %arg5[%dma_start3A_144, %dma_start3A_145] : memref<128x2xi32, #tpu.memory_space<vmem>> -> memref<1x2xi32, #tpu.memory_space<vmem>>
    %dma_start3A_147 = tpu.memref_squeeze %dma_start3A_146 : memref<1x2xi32, #tpu.memory_space<vmem>> -> memref<2xi32, #tpu.memory_space<vmem>>
    %dma_start3A_148 = arith.constant 0 : i32
    %dma_start3A_149 = arith.constant 0 : i32
    %dma_start3A_150 = tpu.memref_slice %arg3[%dma_start3A_148, %dma_start3A_149] : memref<8192x8192xf32, #tpu.memory_space<hbm>> -> memref<8192x8192xf32, #tpu.memory_space<hbm>>
    tpu.enqueue_indirect_dma source(%dma_start3A_150 : memref<8192x8192xf32, #tpu.memory_space<hbm>>) target(%arg9 : memref<2x8192xf32, #tpu.memory_space<vmem>>) offsets(%dma_start3A_147 : memref<2xi32, #tpu.memory_space<vmem>>) semaphore(%arg13 : memref<!tpu.dma_semaphore, #tpu.memory_space<semaphore_mem>>)
    %dma_wait3A_151 = arith.constant 125 : i32
    %dma_wait3A_152 = arith.constant 0 : i32
    %dma_wait3A_153 = tpu.memref_slice %arg5[%dma_wait3A_151, %dma_wait3A_152] : memref<128x2xi32, #tpu.memory_space<vmem>> -> memref<1x2xi32, #tpu.memory_space<vmem>>
    %dma_wait3A_154 = tpu.memref_squeeze %dma_wait3A_153 : memref<1x2xi32, #tpu.memory_space<vmem>> -> memref<2xi32, #tpu.memory_space<vmem>>
    %dma_wait3A_155 = arith.constant 0 : i32
    %dma_wait3A_156 = arith.constant 0 : i32
    %dma_wait3A_157 = tpu.memref_slice %arg3[%dma_wait3A_155, %dma_wait3A_156] : memref<8192x8192xf32, #tpu.memory_space<hbm>> -> memref<8192x8192xf32, #tpu.memory_space<hbm>>
    tpu.wait_indirect_dma semaphore(%arg11 : memref<!tpu.dma_semaphore, #tpu.memory_space<semaphore_mem>>) src(%dma_wait3A_157 : memref<8192x8192xf32, #tpu.memory_space<hbm>>) dst(%arg7 : memref<2x8192xf32, #tpu.memory_space<vmem>>)
    %add3A_158 = arith.constant 250 : i32
    %add3A_159 = arith.addi %mul3A_2, %add3A_158 : i32
    %dma_start3A_160 = arith.constant 0 : i32
    %dma_start3A_161 = tpu.memref_slice %arg4[%add3A_159, %dma_start3A_160] : memref<8192x8192xf32, #tpu.memory_space<hbm>> -> memref<2x8192xf32, #tpu.memory_space<hbm>>
    %dma_start3A_162 = arith.constant 0 : i32
    %dma_start3A_163 = tpu.memref_slice %arg4[%add3A_159, %dma_start3A_162] : memref<8192x8192xf32, #tpu.memory_space<hbm>> -> memref<2x8192xf32, #tpu.memory_space<hbm>>
    tpu.enqueue_dma source(%arg7 : memref<2x8192xf32, #tpu.memory_space<vmem>>) target(%dma_start3A_163 : memref<2x8192xf32, #tpu.memory_space<hbm>>) target_semaphore(%arg15 : memref<!tpu.dma_semaphore, #tpu.memory_space<semaphore_mem>>)
    %add3A_164 = arith.constant 248 : i32
    %add3A_165 = arith.addi %mul3A_2, %add3A_164 : i32
    %dma_wait3A_166 = arith.constant 0 : i32
    %dma_wait3A_167 = tpu.memref_slice %arg4[%add3A_165, %dma_wait3A_166] : memref<8192x8192xf32, #tpu.memory_space<hbm>> -> memref<2x8192xf32, #tpu.memory_space<hbm>>
    %dma_wait3A_168 = arith.constant 0 : i32
    %dma_wait3A_169 = tpu.memref_slice %arg4[%add3A_165, %dma_wait3A_168] : memref<8192x8192xf32, #tpu.memory_space<hbm>> -> memref<2x8192xf32, #tpu.memory_space<hbm>>
    tpu.wait_dma2 semaphore(%arg14 : memref<!tpu.dma_semaphore, #tpu.memory_space<semaphore_mem>>) src(%arg6 : memref<2x8192xf32, #tpu.memory_space<vmem>>) dst(%dma_wait3A_169 : memref<2x8192xf32, #tpu.memory_space<hbm>>)
    %dma_wait3A_170 = arith.constant 126 : i32
    %dma_wait3A_171 = arith.constant 0 : i32
    %dma_wait3A_172 = tpu.memref_slice %arg5[%dma_wait3A_170, %dma_wait3A_171] : memref<128x2xi32, #tpu.memory_space<vmem>> -> memref<1x2xi32, #tpu.memory_space<vmem>>
    %dma_wait3A_173 = tpu.memref_squeeze %dma_wait3A_172 : memref<1x2xi32, #tpu.memory_space<vmem>> -> memref<2xi32, #tpu.memory_space<vmem>>
    %dma_wait3A_174 = arith.constant 0 : i32
    %dma_wait3A_175 = arith.constant 0 : i32
    %dma_wait3A_176 = tpu.memref_slice %arg3[%dma_wait3A_174, %dma_wait3A_175] : memref<8192x8192xf32, #tpu.memory_space<hbm>> -> memref<8192x8192xf32, #tpu.memory_space<hbm>>
    tpu.wait_indirect_dma semaphore(%arg12 : memref<!tpu.dma_semaphore, #tpu.memory_space<semaphore_mem>>) src(%dma_wait3A_176 : memref<8192x8192xf32, #tpu.memory_space<hbm>>) dst(%arg8 : memref<2x8192xf32, #tpu.memory_space<vmem>>)
    %add3A_177 = arith.constant 252 : i32
    %add3A_178 = arith.addi %mul3A_2, %add3A_177 : i32
    %dma_start3A_179 = arith.constant 0 : i32
    %dma_start3A_180 = tpu.memref_slice %arg4[%add3A_178, %dma_start3A_179] : memref<8192x8192xf32, #tpu.memory_space<hbm>> -> memref<2x8192xf32, #tpu.memory_space<hbm>>
    %dma_start3A_181 = arith.constant 0 : i32
    %dma_start3A_182 = tpu.memref_slice %arg4[%add3A_178, %dma_start3A_181] : memref<8192x8192xf32, #tpu.memory_space<hbm>> -> memref<2x8192xf32, #tpu.memory_space<hbm>>
    tpu.enqueue_dma source(%arg8 : memref<2x8192xf32, #tpu.memory_space<vmem>>) target(%dma_start3A_182 : memref<2x8192xf32, #tpu.memory_space<hbm>>) target_semaphore(%arg16 : memref<!tpu.dma_semaphore, #tpu.memory_space<semaphore_mem>>)
    %add3A_183 = arith.constant 250 : i32
    %add3A_184 = arith.addi %mul3A_2, %add3A_183 : i32
    %dma_wait3A_185 = arith.constant 0 : i32
    %dma_wait3A_186 = tpu.memref_slice %arg4[%add3A_184, %dma_wait3A_185] : memref<8192x8192xf32, #tpu.memory_space<hbm>> -> memref<2x8192xf32, #tpu.memory_space<hbm>>
    %dma_wait3A_187 = arith.constant 0 : i32
    %dma_wait3A_188 = tpu.memref_slice %arg4[%add3A_184, %dma_wait3A_187] : memref<8192x8192xf32, #tpu.memory_space<hbm>> -> memref<2x8192xf32, #tpu.memory_space<hbm>>
    tpu.wait_dma2 semaphore(%arg15 : memref<!tpu.dma_semaphore, #tpu.memory_space<semaphore_mem>>) src(%arg7 : memref<2x8192xf32, #tpu.memory_space<vmem>>) dst(%dma_wait3A_188 : memref<2x8192xf32, #tpu.memory_space<hbm>>)
    %dma_wait3A_189 = arith.constant 127 : i32
    %dma_wait3A_190 = arith.constant 0 : i32
    %dma_wait3A_191 = tpu.memref_slice %arg5[%dma_wait3A_189, %dma_wait3A_190] : memref<128x2xi32, #tpu.memory_space<vmem>> -> memref<1x2xi32, #tpu.memory_space<vmem>>
    %dma_wait3A_192 = tpu.memref_squeeze %dma_wait3A_191 : memref<1x2xi32, #tpu.memory_space<vmem>> -> memref<2xi32, #tpu.memory_space<vmem>>
    %dma_wait3A_193 = arith.constant 0 : i32
    %dma_wait3A_194 = arith.constant 0 : i32
    %dma_wait3A_195 = tpu.memref_slice %arg3[%dma_wait3A_193, %dma_wait3A_194] : memref<8192x8192xf32, #tpu.memory_space<hbm>> -> memref<8192x8192xf32, #tpu.memory_space<hbm>>
    tpu.wait_indirect_dma semaphore(%arg13 : memref<!tpu.dma_semaphore, #tpu.memory_space<semaphore_mem>>) src(%dma_wait3A_195 : memref<8192x8192xf32, #tpu.memory_space<hbm>>) dst(%arg9 : memref<2x8192xf32, #tpu.memory_space<vmem>>)
    %add3A_196 = arith.constant 254 : i32
    %add3A_197 = arith.addi %mul3A_2, %add3A_196 : i32
    %dma_start3A_198 = arith.constant 0 : i32
    %dma_start3A_199 = tpu.memref_slice %arg4[%add3A_197, %dma_start3A_198] : memref<8192x8192xf32, #tpu.memory_space<hbm>> -> memref<2x8192xf32, #tpu.memory_space<hbm>>
    %dma_start3A_200 = arith.constant 0 : i32
    %dma_start3A_201 = tpu.memref_slice %arg4[%add3A_197, %dma_start3A_200] : memref<8192x8192xf32, #tpu.memory_space<hbm>> -> memref<2x8192xf32, #tpu.memory_space<hbm>>
    tpu.enqueue_dma source(%arg9 : memref<2x8192xf32, #tpu.memory_space<vmem>>) target(%dma_start3A_201 : memref<2x8192xf32, #tpu.memory_space<hbm>>) target_semaphore(%arg17 : memref<!tpu.dma_semaphore, #tpu.memory_space<semaphore_mem>>)
    %add3A_202 = arith.constant 252 : i32
    %add3A_203 = arith.addi %mul3A_2, %add3A_202 : i32
    %dma_wait3A_204 = arith.constant 0 : i32
    %dma_wait3A_205 = tpu.memref_slice %arg4[%add3A_203, %dma_wait3A_204] : memref<8192x8192xf32, #tpu.memory_space<hbm>> -> memref<2x8192xf32, #tpu.memory_space<hbm>>
    %dma_wait3A_206 = arith.constant 0 : i32
    %dma_wait3A_207 = tpu.memref_slice %arg4[%add3A_203, %dma_wait3A_206] : memref<8192x8192xf32, #tpu.memory_space<hbm>> -> memref<2x8192xf32, #tpu.memory_space<hbm>>
    tpu.wait_dma2 semaphore(%arg16 : memref<!tpu.dma_semaphore, #tpu.memory_space<semaphore_mem>>) src(%arg8 : memref<2x8192xf32, #tpu.memory_space<vmem>>) dst(%dma_wait3A_207 : memref<2x8192xf32, #tpu.memory_space<hbm>>)
    %add3A_208 = arith.constant 254 : i32
    %add3A_209 = arith.addi %mul3A_2, %add3A_208 : i32
    %dma_wait3A_210 = arith.constant 0 : i32
    %dma_wait3A_211 = tpu.memref_slice %arg4[%add3A_209, %dma_wait3A_210] : memref<8192x8192xf32, #tpu.memory_space<hbm>> -> memref<2x8192xf32, #tpu.memory_space<hbm>>
    %dma_wait3A_212 = arith.constant 0 : i32
    %dma_wait3A_213 = tpu.memref_slice %arg4[%add3A_209, %dma_wait3A_212] : memref<8192x8192xf32, #tpu.memory_space<hbm>> -> memref<2x8192xf32, #tpu.memory_space<hbm>>
    tpu.wait_dma2 semaphore(%arg17 : memref<!tpu.dma_semaphore, #tpu.memory_space<semaphore_mem>>) src(%arg9 : memref<2x8192xf32, #tpu.memory_space<vmem>>) dst(%dma_wait3A_213 : memref<2x8192xf32, #tpu.memory_space<hbm>>)
    return
  }
}

</mosaic_0001>

<sc_bundles>
// kernel: kernel.3.cloned.1.call-start
scs
__scs_entry_jumppad:
0x0: {  	(pc) =	sbr.rel $0x88, $3  }
0x1: {  	(tag) =	ssettag $0x0;
	lr =	simm.s32 $0x1  }
0x2: {  	[smem:$0x3F9F] =	sst lr;
	_ =	strace $0xD0000000  }
0x3: {  	_ = 	snop  }
0x4: {  	_ = 	snop  }
0x5: {  	_ = 	snop  }
0x6: {  	_ = 	snop  }
0x7: {  	_ = 	snop  }
__scs_overlays_trampoline_lowered:
0x8: {  	[smem:$0x3FAE] =	sst s0  }
0x9: {  	[smem:$0x3FAF] =	sst s1  }
0xa: {  	[smem:$0x3FB0] =	sst s2  }
0xb: {  	[smem:$0x3FB1] =	sst s3  }
0xc: {  	[smem:$0x3FB2] =	sst s4  }
0xd: {  	[smem:$0x3FB3] =	sst s5  }
0xe: {  	[smem:$0x3FB4] =	sst s6  }
0xf: {  	[smem:$0x3FB5] =	sst s7  }
0x10: {  	[smem:$0x3FB6] =	sst s8  }
0x11: {  	[smem:$0x3FB7] =	sst s9;
	s0 =	simm.s32 @!p0 $0x0  }
0x12: {  	s1 =	sld [smem:$0x3F9D];
	s0 =	simm.s32 @p0 $0x1  }
0x13: {  	[smem:$0x3FB8] =	sst s0;
	s0 =	simm.s32 @!p1 $0x0  }
0x14: {  	s2 =	sld [smem:$0x3F9C];
	s0 =	simm.s32 @p1 $0x1  }
0x15: {  	[smem:$0x3FB9] =	sst s0;
	s0 =	simm.s32 @!p2 $0x0  }
0x16: {  	s3 =	sld [smem:$0x3FDB];
	s0 =	simm.s32 @p2 $0x1  }
0x17: {  	s4 =	simm.s32 $0x1BF5;
	[smem:$0x3FBB] =	sst s0  }
0x18: {  	s0 =	sld [smem:$0x3F9E];
	_ =	swait.ge [sflag:s4], $0x0  }
0x19: {  	s7 =	sld [smem:$0x3F9F]  }
0x1a: {  	s8 =	sadd.s32 $0xFFFFE003, lr  }
0x1b: {  	s9 =	sadd.s32 $0xFFFFFEF7, lr;
	s5 =	simm.s32 $0xFFFFFFFF;
	p2 =	slt.u32 s8, $0xFFFFF086  }
0x1c: {  	p1 =	slt.u32 s9, $0xF7A;
	s5 =	simm.s32 @!p2 $0x0  }
0x1d: {  	s5 =	simm.s32 @p1 $0x1;
	p0 =	seq.s32 s7, s2  }
0x1e: {  	s7 =	smul.u32 @!p0 $0xF7A, s2;
	p2 =	seq.s32 @!p0 s5, $0x0  }
0x1f: {  	s9 =	smul.u32 $0xF7A, s1;
	s8 =	simm.s32 @!p0 $0x1BF5;
	p2 =	por !p2, p0  }
0x20: {  	[sflag:s8] =	ssyncset.s32 @!p0 $0xFFFFF086;
	s6 =	sadd.s32 @!p0 s3, s7;
	s7 =	simm.s32 @!p0 $0x108  }
0x21: {  	s3 =	sadd.s32 s3, s9;
	s6 =	sadd.s32 @!p0 $0x88, s6;
	s7 =	simm.s32 @p2 $0x1082  }
0x22: {  	[simem:s7], [sflag:s8] =	dma.local @!p0 [hbm:s6], $0xF7A  }
0x23: {  	s9 =	sor.u32 $0xD0000000, s2;
	s6 =	simm.s32 $0x108;
	_ =	swait.ge @!p0 [sflag:s8], $0x0  }
0x24: {  	s3 =	sadd.s32 $0x88, s3;
	s6 =	simm.s32 @!p1 $0x1082;
	[sflag:s4] =	ssyncset.s32 $0xFFFFF086  }
0x25: {  	[simem:s6], [sflag:s4] =	dma.local [hbm:s3], $0xF7A  }
0x26: {  	[smem:$0x3F9F] =	sst s1;
	(tag) =	ssettag s2;
	_ =	strace s9  }
0x27: {  	s1 =	sld [smem:$0x3FAF]  }
0x28: {  	s2 =	sld [smem:$0x3FB0]  }
0x29: {  	s4 =	sld [smem:$0x3FB2]  }
0x2a: {  	p0 =	seq.s32 s5, $0x0;
	s5 =	sld [smem:$0x3FB3]  }
0x2b: {  	s6 =	sld [smem:$0x3FB4]  }
0x2c: {  	s7 =	sld [smem:$0x3FB5]  }
0x2d: {  	s3 =	simm.s32 $0x108;
	s8 =	sld [smem:$0x3FB6]  }
0x2e: {  	s3 =	simm.s32 @!p0 $0x1082;
	s9 =	sld [smem:$0x3FB7]  }
0x2f: {  	lr =	sadd.s32 s0, s3;
	s0 =	sld [smem:$0x3FAE]  }
0x30: {  	s3 =	sld [smem:$0x3FB1]  }
0x31: {  	[smem:$0x3FBA] =	sst s10  }
0x32: {  	s10 =	sld [smem:$0x3FB8];
	_ =	sdelay $0x3  }
0x33: {  	p0 =	seq.s32 s10, $0x1;
	s10 =	sld [smem:$0x3FBA];
	_ =	sdelay $0x3  }
0x34: {  	[smem:$0x3FBA] =	sst s10  }
0x35: {  	s10 =	sld [smem:$0x3FB9];
	_ =	sdelay $0x3  }
0x36: {  	p1 =	seq.s32 s10, $0x1;
	s10 =	sld [smem:$0x3FBA];
	_ =	sdelay $0x3  }
0x37: {  	[smem:$0x3FBA] =	sst s10  }
0x38: {  	s10 =	sld [smem:$0x3FBB]  }
0x39: {  	_ = 	snop;
	(pc) =	sbr.ind lr, $3  }
0x3a: {  	_ = 	snop  }
0x3b: {  	_ = 	snop  }
0x3c: {  	p2 =	seq.s32 s10, $0x1;
	s10 =	sld [smem:$0x3FBA]  }
0x3d: {  	_ =	shalt  }
0x3e: {  	_ =	shalt  }
0x3f: {  	_ =	shalt  }
0x40: {  	_ =	shalt  }
0x41: {  	_ =	shalt  }
0x42: {  	_ =	shalt  }
0x43: {  	_ =	shalt  }
0x44: {  	_ =	shalt  }
0x45: {  	_ =	shalt  }
0x46: {  	_ =	shalt  }
0x47: {  	_ =	shalt  }
0x48: {  	_ =	shalt  }
0x49: {  	_ =	shalt  }
0x4a: {  	_ =	shalt  }
0x4b: {  	_ =	shalt  }
0x4c: {  	_ =	shalt  }
0x4d: {  	_ =	shalt  }
0x4e: {  	_ =	shalt  }
0x4f: {  	_ =	shalt  }
0x50: {  	_ =	shalt  }
0x51: {  	_ =	shalt  }
0x52: {  	_ =	shalt  }
0x53: {  	_ =	shalt  }
0x54: {  	_ =	shalt  }
0x55: {  	_ =	shalt  }
0x56: {  	_ =	shalt  }
0x57: {  	_ =	shalt  }
0x58: {  	_ =	shalt  }
0x59: {  	_ =	shalt  }
0x5a: {  	_ =	shalt  }
0x5b: {  	_ =	shalt  }
0x5c: {  	_ =	shalt  }
0x5d: {  	_ =	shalt  }
0x5e: {  	_ =	shalt  }
0x5f: {  	_ =	shalt  }
0x60: {  	_ =	shalt  }
0x61: {  	_ =	shalt  }
0x62: {  	_ =	shalt  }
0x63: {  	_ =	shalt  }
0x64: {  	_ =	shalt  }
0x65: {  	_ =	shalt  }
0x66: {  	_ =	shalt  }
0x67: {  	_ =	shalt  }
0x68: {  	_ =	shalt  }
0x69: {  	_ =	shalt  }
0x6a: {  	_ =	shalt  }
0x6b: {  	_ =	shalt  }
0x6c: {  	_ =	shalt  }
0x6d: {  	_ =	shalt  }
0x6e: {  	_ =	shalt  }
0x6f: {  	_ =	shalt  }
0x70: {  	_ =	shalt  }
0x71: {  	_ =	shalt  }
0x72: {  	_ =	shalt  }
0x73: {  	_ =	shalt  }
0x74: {  	_ =	shalt  }
0x75: {  	_ =	shalt  }
0x76: {  	_ =	shalt  }
0x77: {  	_ =	shalt  }
0x78: {  	_ =	shalt  }
0x79: {  	_ =	shalt  }
0x7a: {  	_ =	shalt  }
0x7b: {  	_ =	shalt  }
0x7c: {  	_ =	shalt  }
0x7d: {  	_ =	shalt  }
0x7e: {  	_ =	shalt  }
0x7f: {  	_ =	shalt  }
0x80: {  	_ =	shalt  }
0x81: {  	_ =	shalt  }
0x82: {  	_ =	shalt  }
0x83: {  	_ =	shalt  }
0x84: {  	_ =	shalt  }
0x85: {  	_ =	shalt  }
0x86: {  	_ =	shalt  }
0x87: {  	_ =	shalt  }
.Lfunc_end0:
.L_simem_size_0:
called_computation_lowered:
.L_overlay_start_0:
0x88: {  	s2 =	sld [smem:$0x3FD9]  }
0x89: {  	s3 =	sld [smem:$0x3FFE];
	_ =	sdelay $0x1  }
0x8a: {  	s1 =	srdreg.scid  }
0x8b: {  	s0 =	sand.u32 $0x1, s1  }
0x8c: {  	s17 =	sshll.u32 s0, $0xA;
	s2 =	sadd.s32 s3, s2  }
0x8d: {  	s2 =	sadd.s32 s2, s17  }
0x8e: {  	[smem:$0x3FC6] =	sst s2  }
0x8f: {  	_ = 	snop  }
0x90: {  	s2 =	sld [smem:$0x3FC8]  }
0x91: {  	s18 =	sld [smem:$0x3FD0];
	(tm) =	ssettm $0x1  }
0x92: {  	s4 =	sld [smem:$0x3FFB];
	_ =	sdelay $0x3  }
0x93: {  	_ =	strace s4  }
0x94: {  	s4 =	sld [smem:$0x3FFC];
	_ =	sdelay $0x3  }
0x95: {  	_ =	strace s4  }
0x96: {  	s4 =	sld [smem:$0x3FFD];
	_ =	sdelay $0x3  }
0x97: {  	_ =	strace s4  }
0x98: {  	_ =	strace $0x8FFFFFFF  }
0x99: {  	s19 =	sld [smem:$0x3FDB];
	_ =	sdelay $0x1  }
0x9a: {  	s5 =	simm.s32 $_scs_section_size  }
0x9b: {  	s6 =	simm.s32 $_size__tile_overlayer_lowered;
	s7 =	simm.s32 $_tile_overlayer_lowered  }
0x9c: {  	s22 =	simm.s32 $0x1BFF;
	s21 =	sshll.u32 s7, $0x1;
	s4 =	sadd.s32 s5, s19  }
0x9d: {  	s8 =	simm.s32 $0x0;
	s20 =	sshll.u32 s6, $0x1;
	s6 =	sadd.s32 s21, s4  }
0x9e: {  	[timem:s8], [sflag:s22] =	dma.local [hbm:s6], s20  }
0x9f: {  	_ =	swait.ge [sflag:s22], s20  }
0xa0: {  	s5 =	ssub.s32 $0x0, s20;
	[sflag:s22] =	ssyncset.done $0x0  }
0xa1: {  	[sflag:s22] =	ssyncadd.s32 s5;
	_ =	sdelay $0x1  }
0xa2: {  	s23 =	simm.s32 $0x1B8B  }
0xa3: {  	_ =	swait.ge [sflag:s23], $0x1  }
0xa4: {  	[sflag:s23] =	ssyncset.done $0x0  }
0xa5: {  	s25 =	simm.s32 $0x1B8E;
	s24 =	sld [smem:$0x3FFE];
	[sflag:s23] =	ssyncadd.s32 $0xFFFFFFFF  }
0xa6: {  	s26 =	simm.s32 $execute0_lowered;
	[smem:$0x3FD2] =	sst s25  }
0xa7: {  	s6 =	sshll.u32 s26, $0x1;
	_ =	strace $0x80000046;
	[dreg:$0x1] =	wrdreg $0xFFFFFFFF  }
0xa8: {  	s28 =	simm.s32 $_size_execute0_lowered;
	s4 =	sadd.s32 s4, s6;
	[dreg:$0x0] =	wrdreg $0x0  }
0xa9: {  	s6 =	sshll.u32 s28, $0x1;
	[dreg:$0x2] =	wrdreg s4  }
0xaa: {  	[dreg:$0x3] =	wrdreg s6  }
0xab: {  	[dreg:$0x4] =	wrdreg $0xC0  }
0xac: {  	_ =	task [dreg:s8], $0x5FFFF  }
0xad: {  	[dreg:$0x1] =	wrdreg $0xFFFFFFFF  }
0xae: {  	[dreg:$0x0] =	wrdreg $0x60  }
0xaf: {  	[dreg:$0x2] =	wrdreg s24  }
0xb0: {  	[dreg:$0x3] =	wrdreg s2  }
0xb1: {  	[dreg:$0x4] =	wrdreg s18  }
0xb2: {  	[dreg:$0x5] =	wrdreg $0x9  }
0xb3: {  	_ =	task.clear_ibuf [dreg:s8], $0x6FFFF;
	_ =	strace $0x90000046  }
0xb4: {  	s29 =	simm.s32 $0x9;
	_ =	strace $0x80000048  }
0xb5: {  	_ =	swait.ge [sflag:s29], $0x1  }
0xb6: {  	[sflag:s29] =	ssyncadd.s32 $0xFFFFFFFF  }
0xb7: {  	_ =	strace $0x90000048  }
0xb8: {  	_ =	sfence  }
0xb9: {  	s30 =	sld [smem:$0x0];
	_ =	sdelay $0x2  }
0xba: {  	s31 =	sshll.u32 s1, $0xD;
	s1 =	sshrl.u32 s1, $0x2  }
0xbb: {  	s3 =	sand.u32 $0x4000, s31;
	s1 =	sadd.s32 s1, s30  }
0xbc: {  	s0 =	sor.u32 s3, s0;
	s1 =	sshll.u32 s1, $0x11  }
0xbd: {  	s0 =	sor.u32 s1, s0  }
0xbe: {  	s0 =	sadd.s32 $0x8F2B, s0  }
0xbf: {  	[sflag:s0] =	ssyncadd.remote.s32 $0x1  }
0xc0: {  	_ =	sfence.sel $0xFFFF  }
0xc1: {  	[dreg:$0x0] =	wrdreg $0xFFFFFFFF;
	(pc) =	sbr.abs _section_cstart, $3  }
0xc2: {  	[dreg:$0x1] =	wrdreg $0xFFFFFFFF  }
0xc3: {  	_ =	task.clear_ibuf [dreg:s8], $0x2FFFF;
	_ =	strace $0x9FFFFFFF  }
0xc4: {  	(tm) =	ssettm $0x7FFFFFFF  }
0xc5: {  	_ =	shalt  }
tec
execute0_lowered:
.L_overlay_start_1:
0x0: {  	(tag) =	ssettag $0x1  }
0x1: {  	s0 =	rddreg [dreg:$0x0]  }
0x2: {  	s2 =	rddreg [dreg:$0x1]  }
0x3: {  	s1 =	rddreg [dreg:$0x2]  }
0x4: {  	s4 =	srdreg.scid;
	s14 =	stileid.u32;
	s3 =	simm.s32 $0x0  }
0x5: {  	s15 =	simm.s32 $0x6800;
	s17 =	simm.s32 $0x7000;
	s30 =	simm.s32 $0x8800  }
0x6: {  	s31 =	simm.s32 $0x9000;
	s28 =	simm.s32 $0x400;
	s16 =	simm.s32 $0x2  }
0x7: {  	s4 =	sand.u32 $0x1, s4;
	s5 =	sshll.u32 s14, $0x1;
	[smem:$0x7FF] =	sst s3  }
0x8: {  	s9 =	sadd.s32 $0x1400, s2;
	s10 =	sadd.s32 $0x1800, s2;
	s11 =	sadd.s32 $0x1C00, s2  }
0x9: {  	s23 =	sshll.u32 s14, $0x13;
	s14 =	simm.s32 $0x6000;
	s5 =	sor.u32 s4, s5  }
0xa: {  	s6 =	ssub.s32 $0x2, s4;
	s7 =	sshll.u32 s5, $0xB;
	s13 =	sshll.u32 s5, $0x12  }
0xb: {  	_ =	strace $0x80000047;
	s0 =	sadd.s32 s7, s0;
	s13 =	sadd.s32 s1, s13  }
0xc: {  	s25 =	sshll.u32 s4, $0x12;
	s0 =	sadd.s32 $0x400, s0;
	[dreg:$0x6] =	wrdreg s13  }
0xd: {  	s4 =	simm.s32 $0x5000;
	s18 =	sadd.s32 $0x20, s13;
	[dreg:$0x5] =	wrdreg s0  }
0xe: {  	s8 =	sshrl.u32 s6, $0x1;
	s19 =	sadd.s32 $0x40, s13;
	[dreg:$0x7] =	wrdreg s18  }
0xf: {  	s5 =	sadd.s32 $0x400, s2;
	s20 =	sadd.s32 $0x60, s13;
	[dreg:$0x8] =	wrdreg s19  }
0x10: {  	s12 =	ssub.s32 s6, s8;
	s21 =	sadd.s32 $0x3E000, s13;
	[dreg:$0x9] =	wrdreg s20  }
0x11: {  	s6 =	sadd.s32 $0x800, s2;
	s22 =	sadd.s32 $0x3E020, s13;
	[dreg:$0xa] =	wrdreg s21  }
0x12: {  	s7 =	sadd.s32 $0xC00, s2;
	s24 =	sadd.s32 $0x3E040, s13;
	[dreg:$0xb] =	wrdreg s22  }
0x13: {  	s8 =	sadd.s32 $0x1000, s2;
	s26 =	sadd.s32 $0x3E060, s13;
	[dreg:$0xc] =	wrdreg s24  }
0x14: {  	s29 =	smax.u32 s12, $0x1;
	s13 =	simm.s32 $0x5800;
	[dreg:$0xd] =	wrdreg s26  }
0x15: {  	s12 =	simm.s32 $0x4;
	s0 =	sadd.s32 s23, s1;
	[dreg:$0xe] =	wrdreg s29  }
0x16: {  	s1 =	simm.s32 $0x4800;
	s24 =	simm.s32 $0x7800;
	s26 =	simm.s32 $0x100  }
0x17: {  	v0 =	vlaneseq.u32;
	s18 =	simm.s32 $0x5;
	s19 =	simm.s32 $0x3;
	s20 =	simm.s32 $0x6  }
0x18: {  	v1 =	vshrl.u32 v0, $0x1;
	s21 =	simm.s32 $0x7;
	s23 =	simm.s32 $0x8;
	s0 =	sadd.s32 s25, s0  }
0x19: {  	vm0 =	vmmov $0xffff;
	v0 =	vand.u32 $0x1, v0;
	v1 =	vmul.u32 $0x8, v1;
	s22 =	simm.s32 $0x0;
	s25 =	simm.s32 $0x1;
	[dreg:$0x4] =	wrdreg s0  }
.LBB2_1:
0x1a: {  	[dreg:$0xf] =	wrdreg s22  }
0x1b: {  	s0 =	rddreg [dreg:$0x5];
	s29 =	simm.s32 $0x9  }
0x1c: {  	[tilespmem:s3], [sflag:$0x9] =	stream.linear.gather [hbm4b:s0+s3], $0x4000, $0x38;
	[tilespmem:$0x14000] =	vst v63  }
0x1d: {  	_ =	swait.ge [sflag:s29], $0x4000  }
0x1e: {  	[sflag:s29] =	ssyncset.done $0x0  }
0x1f: {  	[sflag:s29] =	ssyncadd.s32 $0xFFFFC000  }
0x20: {  	v2 =	vld.msk [tilespmem:$0x0], $0x3;
	_ =	sdelay $0x4  }
0x21: {  	v3 =	vshll.u32 v2, $0x6  }
0x22: {  	v2 =	vand.u32 $0x7, v2;
	v3 =	vand.u32 $0xFFFFFE00, v3  }
0x23: {  	v2 =	vor.u32 v2, v3  }
0x24: {  	v2 =	vperm.xlane v2, v0;
	_ =	sdelay $0x1  }
0x25: {  	v2 =	vadd.s32 v1, v2;
	_ =	sdelay $0x3  }
0x26: {  	s22 =	simm.s32 $0x4000  }
0x27: {  	[tilespmem:s22], [sflag:$0x1] =	stream.indirect_vreg.gather [hbm4b:s2+s3], $0x80, v2, vm0, $0xb8;
	[tilespmem:$0x14000] =	vst v63  }
0x28: {  	_ = 	snop  }
0x29: {  	[tilespmem:s1], [sflag:$0x1] =	stream.indirect_vreg.gather [hbm4b:s5+s3], $0x80, v2, vm0, $0xb8;
	[tilespmem:$0x14000] =	vst v63  }
0x2a: {  	_ = 	snop  }
0x2b: {  	[tilespmem:s4], [sflag:$0x1] =	stream.indirect_vreg.gather [hbm4b:s6+s3], $0x80, v2, vm0, $0xb8;
	[tilespmem:$0x14000] =	vst v63  }
0x2c: {  	_ = 	snop  }
0x2d: {  	[tilespmem:s13], [sflag:$0x1] =	stream.indirect_vreg.gather [hbm4b:s7+s3], $0x80, v2, vm0, $0xb8;
	[tilespmem:$0x14000] =	vst v63  }
0x2e: {  	_ = 	snop  }
0x2f: {  	[tilespmem:s14], [sflag:$0x1] =	stream.indirect_vreg.gather [hbm4b:s8+s3], $0x80, v2, vm0, $0xb8;
	[tilespmem:$0x14000] =	vst v63  }
0x30: {  	_ = 	snop  }
0x31: {  	[tilespmem:s15], [sflag:$0x1] =	stream.indirect_vreg.gather [hbm4b:s9+s3], $0x80, v2, vm0, $0xb8;
	[tilespmem:$0x14000] =	vst v63  }
0x32: {  	_ = 	snop  }
0x33: {  	[tilespmem:s17], [sflag:$0x1] =	stream.indirect_vreg.gather [hbm4b:s10+s3], $0x80, v2, vm0, $0xb8;
	[tilespmem:$0x14000] =	vst v63  }
0x34: {  	_ = 	snop  }
0x35: {  	[tilespmem:s24], [sflag:$0x1] =	stream.indirect_vreg.gather [hbm4b:s11+s3], $0x80, v2, vm0, $0xb8;
	[tilespmem:$0x14000] =	vst v63  }
0x36: {  	v2 =	vld.msk [tilespmem:$0x80], $0x3;
	_ =	sdelay $0x4  }
0x37: {  	v3 =	vshll.u32 v2, $0x6  }
0x38: {  	v2 =	vand.u32 $0x7, v2;
	v3 =	vand.u32 $0xFFFFFE00, v3  }
0x39: {  	v2 =	vor.u32 v2, v3  }
0x3a: {  	v2 =	vperm.xlane v2, v0;
	_ =	sdelay $0x1  }
0x3b: {  	v2 =	vadd.s32 v1, v2;
	_ =	sdelay $0x3  }
0x3c: {  	s29 =	simm.s32 $0x8000  }
0x3d: {  	[tilespmem:s29], [sflag:$0x2] =	stream.indirect_vreg.gather [hbm4b:s2+s3], $0x80, v2, vm0, $0xb8;
	[tilespmem:$0x14000] =	vst v63  }
0x3e: {  	_ = 	snop  }
0x3f: {  	[tilespmem:s30], [sflag:$0x2] =	stream.indirect_vreg.gather [hbm4b:s5+s3], $0x80, v2, vm0, $0xb8;
	[tilespmem:$0x14000] =	vst v63  }
0x40: {  	_ = 	snop  }
0x41: {  	[tilespmem:s31], [sflag:$0x2] =	stream.indirect_vreg.gather [hbm4b:s6+s3], $0x80, v2, vm0, $0xb8;
	[tilespmem:$0x14000] =	vst v63  }
0x42: {  	s0 =	simm.s32 $0x9800  }
0x43: {  	[tilespmem:s0], [sflag:$0x2] =	stream.indirect_vreg.gather [hbm4b:s7+s3], $0x80, v2, vm0, $0xb8;
	[tilespmem:$0x14000] =	vst v63  }
0x44: {  	s0 =	simm.s32 $0xA000  }
0x45: {  	[tilespmem:s0], [sflag:$0x2] =	stream.indirect_vreg.gather [hbm4b:s8+s3], $0x80, v2, vm0, $0xb8;
	[tilespmem:$0x14000] =	vst v63  }
0x46: {  	s0 =	simm.s32 $0xA800  }
0x47: {  	[tilespmem:s0], [sflag:$0x2] =	stream.indirect_vreg.gather [hbm4b:s9+s3], $0x80, v2, vm0, $0xb8;
	[tilespmem:$0x14000] =	vst v63  }
0x48: {  	s0 =	simm.s32 $0xB000  }
0x49: {  	[tilespmem:s0], [sflag:$0x2] =	stream.indirect_vreg.gather [hbm4b:s10+s3], $0x80, v2, vm0, $0xb8;
	[tilespmem:$0x14000] =	vst v63  }
0x4a: {  	s0 =	simm.s32 $0xB800  }
0x4b: {  	[tilespmem:s0], [sflag:$0x2] =	stream.indirect_vreg.gather [hbm4b:s11+s3], $0x80, v2, vm0, $0xb8;
	[tilespmem:$0x14000] =	vst v63  }
0x4c: {  	v2 =	vld.msk [tilespmem:$0x100], $0x3;
	_ =	sdelay $0x4  }
0x4d: {  	v3 =	vshll.u32 v2, $0x6  }
0x4e: {  	v2 =	vand.u32 $0x7, v2;
	v3 =	vand.u32 $0xFFFFFE00, v3  }
0x4f: {  	v2 =	vor.u32 v2, v3  }
0x50: {  	v2 =	vperm.xlane v2, v0;
	_ =	sdelay $0x1  }
0x51: {  	v2 =	vadd.s32 v1, v2;
	_ =	sdelay $0x3  }
0x52: {  	s0 =	simm.s32 $0xC000  }
0x53: {  	[tilespmem:s0], [sflag:$0x3] =	stream.indirect_vreg.gather [hbm4b:s2+s3], $0x80, v2, vm0, $0xb8;
	[tilespmem:$0x14000] =	vst v63  }
0x54: {  	s0 =	simm.s32 $0xC800  }
0x55: {  	[tilespmem:s0], [sflag:$0x3] =	stream.indirect_vreg.gather [hbm4b:s5+s3], $0x80, v2, vm0, $0xb8;
	[tilespmem:$0x14000] =	vst v63  }
0x56: {  	s0 =	simm.s32 $0xD000  }
0x57: {  	[tilespmem:s0], [sflag:$0x3] =	stream.indirect_vreg.gather [hbm4b:s6+s3], $0x80, v2, vm0, $0xb8;
	[tilespmem:$0x14000] =	vst v63  }
0x58: {  	s0 =	simm.s32 $0xD800  }
0x59: {  	[tilespmem:s0], [sflag:$0x3] =	stream.indirect_vreg.gather [hbm4b:s7+s3], $0x80, v2, vm0, $0xb8;
	[tilespmem:$0x14000] =	vst v63  }
0x5a: {  	s0 =	simm.s32 $0xE000  }
0x5b: {  	[tilespmem:s0], [sflag:$0x3] =	stream.indirect_vreg.gather [hbm4b:s8+s3], $0x80, v2, vm0, $0xb8;
	[tilespmem:$0x14000] =	vst v63  }
0x5c: {  	s0 =	simm.s32 $0xE800  }
0x5d: {  	[tilespmem:s0], [sflag:$0x3] =	stream.indirect_vreg.gather [hbm4b:s9+s3], $0x80, v2, vm0, $0xb8;
	[tilespmem:$0x14000] =	vst v63  }
0x5e: {  	s0 =	simm.s32 $0xF000  }
0x5f: {  	[tilespmem:s0], [sflag:$0x3] =	stream.indirect_vreg.gather [hbm4b:s10+s3], $0x80, v2, vm0, $0xb8;
	[tilespmem:$0x14000] =	vst v63  }
0x60: {  	s0 =	simm.s32 $0xF800  }
0x61: {  	[tilespmem:s0], [sflag:$0x3] =	stream.indirect_vreg.gather [hbm4b:s11+s3], $0x80, v2, vm0, $0xb8;
	[tilespmem:$0x14000] =	vst v63  }
0x62: {  	_ =	swait.ge [sflag:s25], $0x4000  }
0x63: {  	[sflag:s25] =	ssyncset.done $0x0  }
0x64: {  	s0 =	rddreg [dreg:$0x6];
	[sflag:s25] =	ssyncadd.s32 $0xFFFFC000  }
0x65: {  	[hbm4b:s0+s26] =	stream.strided.scatter [tilespmem:s22], [sflag:$0x5], $0x4000, s28, s26, $0x38;
	[tilespmem:$0x14000] =	vst v63  }
0x66: {  	v2 =	vld.msk [tilespmem:$0x180], $0x3;
	_ =	sdelay $0x4  }
0x67: {  	v3 =	vshll.u32 v2, $0x6  }
0x68: {  	v2 =	vand.u32 $0x7, v2;
	v3 =	vand.u32 $0xFFFFFE00, v3  }
0x69: {  	v2 =	vor.u32 v2, v3  }
0x6a: {  	v2 =	vperm.xlane v2, v0;
	_ =	sdelay $0x1  }
0x6b: {  	v2 =	vadd.s32 v1, v2;
	_ =	sdelay $0x3  }
0x6c: {  	s0 =	simm.s32 $0x10000  }
0x6d: {  	[tilespmem:s0], [sflag:$0x4] =	stream.indirect_vreg.gather [hbm4b:s2+s3], $0x80, v2, vm0, $0xb8;
	[tilespmem:$0x14000] =	vst v63  }
0x6e: {  	s0 =	simm.s32 $0x10800  }
0x6f: {  	[tilespmem:s0], [sflag:$0x4] =	stream.indirect_vreg.gather [hbm4b:s5+s3], $0x80, v2, vm0, $0xb8;
	[tilespmem:$0x14000] =	vst v63  }
0x70: {  	s0 =	simm.s32 $0x11000  }
0x71: {  	[tilespmem:s0], [sflag:$0x4] =	stream.indirect_vreg.gather [hbm4b:s6+s3], $0x80, v2, vm0, $0xb8;
	[tilespmem:$0x14000] =	vst v63  }
0x72: {  	s0 =	simm.s32 $0x11800  }
0x73: {  	[tilespmem:s0], [sflag:$0x4] =	stream.indirect_vreg.gather [hbm4b:s7+s3], $0x80, v2, vm0, $0xb8;
	[tilespmem:$0x14000] =	vst v63  }
0x74: {  	s0 =	simm.s32 $0x12000  }
0x75: {  	[tilespmem:s0], [sflag:$0x4] =	stream.indirect_vreg.gather [hbm4b:s8+s3], $0x80, v2, vm0, $0xb8;
	[tilespmem:$0x14000] =	vst v63  }
0x76: {  	s0 =	simm.s32 $0x12800  }
0x77: {  	[tilespmem:s0], [sflag:$0x4] =	stream.indirect_vreg.gather [hbm4b:s9+s3], $0x80, v2, vm0, $0xb8;
	[tilespmem:$0x14000] =	vst v63  }
0x78: {  	s0 =	simm.s32 $0x13000  }
0x79: {  	[tilespmem:s0], [sflag:$0x4] =	stream.indirect_vreg.gather [hbm4b:s10+s3], $0x80, v2, vm0, $0xb8;
	[tilespmem:$0x14000] =	vst v63  }
0x7a: {  	s0 =	simm.s32 $0x13800  }
0x7b: {  	[tilespmem:s0], [sflag:$0x4] =	stream.indirect_vreg.gather [hbm4b:s11+s3], $0x80, v2, vm0, $0xb8;
	[tilespmem:$0x14000] =	vst v63  }
0x7c: {  	_ =	swait.ge [sflag:s16], $0x4000  }
0x7d: {  	[sflag:s16] =	ssyncset.done $0x0  }
0x7e: {  	s0 =	rddreg [dreg:$0x7];
	[sflag:s16] =	ssyncadd.s32 $0xFFFFC000  }
0x7f: {  	[hbm4b:s0+s26] =	stream.strided.scatter [tilespmem:s29], [sflag:$0x6], $0x4000, s28, s26, $0x38;
	[tilespmem:$0x14000] =	vst v63  }
0x80: {  	_ =	swait.ge [sflag:s18], $0x4000  }
0x81: {  	[sflag:s18] =	ssyncset.done $0x0  }
0x82: {  	[sflag:s18] =	ssyncadd.s32 $0xFFFFC000  }
0x83: {  	v2 =	vld.msk [tilespmem:$0x200], $0x3;
	_ =	sdelay $0x4  }
0x84: {  	v3 =	vshll.u32 v2, $0x6  }
0x85: {  	v2 =	vand.u32 $0x7, v2;
	v3 =	vand.u32 $0xFFFFFE00, v3  }
0x86: {  	v2 =	vor.u32 v2, v3  }
0x87: {  	v2 =	vperm.xlane v2, v0;
	_ =	sdelay $0x1  }
0x88: {  	v2 =	vadd.s32 v1, v2;
	_ =	sdelay $0x4  }
0x89: {  	[tilespmem:s22], [sflag:$0x1] =	stream.indirect_vreg.gather [hbm4b:s2+s3], $0x80, v2, vm0, $0xb8;
	[tilespmem:$0x14000] =	vst v63  }
0x8a: {  	_ = 	snop  }
0x8b: {  	[tilespmem:s1], [sflag:$0x1] =	stream.indirect_vreg.gather [hbm4b:s5+s3], $0x80, v2, vm0, $0xb8;
	[tilespmem:$0x14000] =	vst v63  }
0x8c: {  	_ = 	snop  }
0x8d: {  	[tilespmem:s4], [sflag:$0x1] =	stream.indirect_vreg.gather [hbm4b:s6+s3], $0x80, v2, vm0, $0xb8;
	[tilespmem:$0x14000] =	vst v63  }
0x8e: {  	_ = 	snop  }
0x8f: {  	[tilespmem:s13], [sflag:$0x1] =	stream.indirect_vreg.gather [hbm4b:s7+s3], $0x80, v2, vm0, $0xb8;
	[tilespmem:$0x14000] =	vst v63  }
0x90: {  	_ = 	snop  }
0x91: {  	[tilespmem:s14], [sflag:$0x1] =	stream.indirect_vreg.gather [hbm4b:s8+s3], $0x80, v2, vm0, $0xb8;
	[tilespmem:$0x14000] =	vst v63  }
0x92: {  	_ = 	snop  }
0x93: {  	[tilespmem:s15], [sflag:$0x1] =	stream.indirect_vreg.gather [hbm4b:s9+s3], $0x80, v2, vm0, $0xb8;
	[tilespmem:$0x14000] =	vst v63  }
0x94: {  	_ = 	snop  }
0x95: {  	[tilespmem:s17], [sflag:$0x1] =	stream.indirect_vreg.gather [hbm4b:s10+s3], $0x80, v2, vm0, $0xb8;
	[tilespmem:$0x14000] =	vst v63  }
0x96: {  	_ = 	snop  }
0x97: {  	[tilespmem:s24], [sflag:$0x1] =	stream.indirect_vreg.gather [hbm4b:s11+s3], $0x80, v2, vm0, $0xb8;
	[tilespmem:$0x14000] =	vst v63  }
0x98: {  	_ =	swait.ge [sflag:s19], $0x4000  }
0x99: {  	[sflag:s19] =	ssyncset.done $0x0  }
0x9a: {  	s15 =	simm.s32 $0xC000;
	s14 =	rddreg [dreg:$0x8];
	[sflag:s19] =	ssyncadd.s32 $0xFFFFC000  }
0x9b: {  	[hbm4b:s14+s26] =	stream.strided.scatter [tilespmem:s15], [sflag:$0x7], $0x4000, s28, s26, $0x38;
	[tilespmem:$0x14000] =	vst v63  }
0x9c: {  	_ =	swait.ge [sflag:s20], $0x4000  }
0x9d: {  	[sflag:s20] =	ssyncset.done $0x0  }
0x9e: {  	[sflag:s20] =	ssyncadd.s32 $0xFFFFC000  }
0x9f: {  	v2 =	vld.msk [tilespmem:$0x280], $0x3;
	_ =	sdelay $0x4  }
0xa0: {  	v3 =	vshll.u32 v2, $0x6  }
0xa1: {  	v2 =	vand.u32 $0x7, v2;
	v3 =	vand.u32 $0xFFFFFE00, v3  }
0xa2: {  	v2 =	vor.u32 v2, v3  }
0xa3: {  	v2 =	vperm.xlane v2, v0;
	_ =	sdelay $0x1  }
0xa4: {  	v2 =	vadd.s32 v1, v2;
	_ =	sdelay $0x4  }
0xa5: {  	[tilespmem:s29], [sflag:$0x2] =	stream.indirect_vreg.gather [hbm4b:s2+s3], $0x80, v2, vm0, $0xb8;
	[tilespmem:$0x14000] =	vst v63  }
0xa6: {  	_ = 	snop  }
0xa7: {  	[tilespmem:s30], [sflag:$0x2] =	stream.indirect_vreg.gather [hbm4b:s5+s3], $0x80, v2, vm0, $0xb8;
	[tilespmem:$0x14000] =	vst v63  }
0xa8: {  	_ = 	snop  }
0xa9: {  	[tilespmem:s31], [sflag:$0x2] =	stream.indirect_vreg.gather [hbm4b:s6+s3], $0x80, v2, vm0, $0xb8;
	[tilespmem:$0x14000] =	vst v63  }
0xaa: {  	s17 =	simm.s32 $0x9800  }
0xab: {  	[tilespmem:s17], [sflag:$0x2] =	stream.indirect_vreg.gather [hbm4b:s7+s3], $0x80, v2, vm0, $0xb8;
	[tilespmem:$0x14000] =	vst v63  }
0xac: {  	s22 =	simm.s32 $0xA000  }
0xad: {  	[tilespmem:s22], [sflag:$0x2] =	stream.indirect_vreg.gather [hbm4b:s8+s3], $0x80, v2, vm0, $0xb8;
	[tilespmem:$0x14000] =	vst v63  }
0xae: {  	s24 =	simm.s32 $0xA800  }
0xaf: {  	[tilespmem:s24], [sflag:$0x2] =	stream.indirect_vreg.gather [hbm4b:s9+s3], $0x80, v2, vm0, $0xb8;
	[tilespmem:$0x14000] =	vst v63  }
0xb0: {  	s29 =	simm.s32 $0xB000  }
0xb1: {  	[tilespmem:s29], [sflag:$0x2] =	stream.indirect_vreg.gather [hbm4b:s10+s3], $0x80, v2, vm0, $0xb8;
	[tilespmem:$0x14000] =	vst v63  }
0xb2: {  	s31 =	simm.s32 $0xB800  }
0xb3: {  	[tilespmem:s31], [sflag:$0x2] =	stream.indirect_vreg.gather [hbm4b:s11+s3], $0x80, v2, vm0, $0xb8;
	[tilespmem:$0x14000] =	vst v63  }
0xb4: {  	_ =	swait.ge [sflag:s12], $0x4000  }
0xb5: {  	[sflag:s12] =	ssyncset.done $0x0  }
0xb6: {  	s13 =	simm.s32 $0x10000;
	s4 =	rddreg [dreg:$0x9];
	[sflag:s12] =	ssyncadd.s32 $0xFFFFC000  }
0xb7: {  	[hbm4b:s4+s26] =	stream.strided.scatter [tilespmem:s13], [sflag:$0x8], $0x4000, s28, s26, $0x38;
	[tilespmem:$0x14000] =	vst v63  }
0xb8: {  	_ =	swait.ge [sflag:s21], $0x4000  }
0xb9: {  	[sflag:s21] =	ssyncset.done $0x0  }
0xba: {  	[sflag:s21] =	ssyncadd.s32 $0xFFFFC000  }
0xbb: {  	v2 =	vld.msk [tilespmem:$0x300], $0x3;
	_ =	sdelay $0x4  }
0xbc: {  	v3 =	vshll.u32 v2, $0x6  }
0xbd: {  	v2 =	vand.u32 $0x7, v2;
	v3 =	vand.u32 $0xFFFFFE00, v3  }
0xbe: {  	v2 =	vor.u32 v2, v3  }
0xbf: {  	v2 =	vperm.xlane v2, v0;
	_ =	sdelay $0x1  }
0xc0: {  	v2 =	vadd.s32 v1, v2;
	_ =	sdelay $0x4  }
0xc1: {  	[tilespmem:s15], [sflag:$0x3] =	stream.indirect_vreg.gather [hbm4b:s2+s3], $0x80, v2, vm0, $0xb8;
	[tilespmem:$0x14000] =	vst v63  }
0xc2: {  	s14 =	simm.s32 $0xC800  }
0xc3: {  	[tilespmem:s14], [sflag:$0x3] =	stream.indirect_vreg.gather [hbm4b:s5+s3], $0x80, v2, vm0, $0xb8;
	[tilespmem:$0x14000] =	vst v63  }
0xc4: {  	s15 =	simm.s32 $0xD000  }
0xc5: {  	[tilespmem:s15], [sflag:$0x3] =	stream.indirect_vreg.gather [hbm4b:s6+s3], $0x80, v2, vm0, $0xb8;
	[tilespmem:$0x14000] =	vst v63  }
0xc6: {  	s17 =	simm.s32 $0xD800  }
0xc7: {  	[tilespmem:s17], [sflag:$0x3] =	stream.indirect_vreg.gather [hbm4b:s7+s3], $0x80, v2, vm0, $0xb8;
	[tilespmem:$0x14000] =	vst v63  }
0xc8: {  	s22 =	simm.s32 $0xE000  }
0xc9: {  	[tilespmem:s22], [sflag:$0x3] =	stream.indirect_vreg.gather [hbm4b:s8+s3], $0x80, v2, vm0, $0xb8;
	[tilespmem:$0x14000] =	vst v63  }
0xca: {  	s30 =	simm.s32 $0x0;
	s24 =	simm.s32 $0xE800  }
0xcb: {  	[tilespmem:s24], [sflag:$0x3] =	stream.indirect_vreg.gather [hbm4b:s9+s3], $0x80, v2, vm0, $0xb8;
	[tilespmem:$0x14000] =	vst v63  }
0xcc: {  	s29 =	simm.s32 $0xF000;
	s31 =	simm.s32 $0xF800;
	s13 =	simm.s32 $0x9000  }
0xcd: {  	[tilespmem:s29], [sflag:$0x3] =	stream.indirect_vreg.gather [hbm4b:s10+s3], $0x80, v2, vm0, $0xb8;
	[tilespmem:$0x14000] =	vst v63  }
0xce: {  	s14 =	simm.s32 $0x5800;
	s22 =	simm.s32 $0x6800;
	s24 =	simm.s32 $0x500  }
0xcf: {  	[tilespmem:s31], [sflag:$0x3] =	stream.indirect_vreg.gather [hbm4b:s11+s3], $0x80, v2, vm0, $0xb8;
	[tilespmem:$0x14000] =	vst v63  }
.LBB2_2:
0xd0: {  	_ =	swait.ge [sflag:s25], $0x4000  }
0xd1: {  	s0 =	rddreg [dreg:$0x4]  }
0xd2: {  	[sflag:s25] =	ssyncset.done $0x0;
	s0 =	sadd.s32 s30, s0  }
0xd3: {  	s17 =	simm.s32 $0x4000;
	[sflag:s25] =	ssyncadd.s32 $0xFFFFC000;
	s1 =	sadd.s32 $0x2000, s0  }
0xd4: {  	[hbm4b:s1+s26] =	stream.strided.scatter [tilespmem:s17], [sflag:$0x5], $0x4000, s28, s26, $0x38;
	[tilespmem:$0x14000] =	vst v63  }
0xd5: {  	_ =	swait.ge [sflag:s23], $0x4000  }
0xd6: {  	[sflag:s23] =	ssyncset.done $0x0  }
0xd7: {  	[sflag:s23] =	ssyncadd.s32 $0xFFFFC000  }
0xd8: {  	v2 =	vld.msk [tilespmem:s24+$0xFFFFFE80], $0x3;
	_ =	sdelay $0x4  }
0xd9: {  	v3 =	vshll.u32 v2, $0x6  }
0xda: {  	v2 =	vand.u32 $0x7, v2;
	v3 =	vand.u32 $0xFFFFFE00, v3  }
0xdb: {  	v2 =	vor.u32 v2, v3  }
0xdc: {  	v2 =	vperm.xlane v2, v0;
	_ =	sdelay $0x1  }
0xdd: {  	v2 =	vadd.s32 v1, v2;
	_ =	sdelay $0x3  }
0xde: {  	s4 =	simm.s32 $0x10000  }
0xdf: {  	[tilespmem:s4], [sflag:$0x4] =	stream.indirect_vreg.gather [hbm4b:s2+s3], $0x80, v2, vm0, $0xb8;
	[tilespmem:$0x14000] =	vst v63  }
0xe0: {  	s15 =	simm.s32 $0x10800  }
0xe1: {  	[tilespmem:s15], [sflag:$0x4] =	stream.indirect_vreg.gather [hbm4b:s5+s3], $0x80, v2, vm0, $0xb8;
	[tilespmem:$0x14000] =	vst v63  }
0xe2: {  	s15 =	simm.s32 $0x11000  }
0xe3: {  	[tilespmem:s15], [sflag:$0x4] =	stream.indirect_vreg.gather [hbm4b:s6+s3], $0x80, v2, vm0, $0xb8;
	[tilespmem:$0x14000] =	vst v63  }
0xe4: {  	s15 =	simm.s32 $0x11800  }
0xe5: {  	[tilespmem:s15], [sflag:$0x4] =	stream.indirect_vreg.gather [hbm4b:s7+s3], $0x80, v2, vm0, $0xb8;
	[tilespmem:$0x14000] =	vst v63  }
0xe6: {  	s15 =	simm.s32 $0x12000  }
0xe7: {  	[tilespmem:s15], [sflag:$0x4] =	stream.indirect_vreg.gather [hbm4b:s8+s3], $0x80, v2, vm0, $0xb8;
	[tilespmem:$0x14000] =	vst v63  }
0xe8: {  	s15 =	simm.s32 $0x12800  }
0xe9: {  	[tilespmem:s15], [sflag:$0x4] =	stream.indirect_vreg.gather [hbm4b:s9+s3], $0x80, v2, vm0, $0xb8;
	[tilespmem:$0x14000] =	vst v63  }
0xea: {  	s15 =	simm.s32 $0x13000  }
0xeb: {  	[tilespmem:s15], [sflag:$0x4] =	stream.indirect_vreg.gather [hbm4b:s10+s3], $0x80, v2, vm0, $0xb8;
	[tilespmem:$0x14000] =	vst v63  }
0xec: {  	s15 =	simm.s32 $0x13800  }
0xed: {  	[tilespmem:s15], [sflag:$0x4] =	stream.indirect_vreg.gather [hbm4b:s11+s3], $0x80, v2, vm0, $0xb8;
	[tilespmem:$0x14000] =	vst v63  }
0xee: {  	_ =	swait.ge [sflag:s16], $0x4000  }
0xef: {  	[sflag:s16] =	ssyncset.done $0x0  }
0xf0: {  	s29 =	simm.s32 $0x8000;
	s15 =	sadd.s32 $0x2020, s0;
	[sflag:s16] =	ssyncadd.s32 $0xFFFFC000  }
0xf1: {  	[hbm4b:s15+s26] =	stream.strided.scatter [tilespmem:s29], [sflag:$0x6], $0x4000, s28, s26, $0x38;
	[tilespmem:$0x14000] =	vst v63  }
0xf2: {  	_ =	swait.ge [sflag:s18], $0x4000  }
0xf3: {  	[sflag:s18] =	ssyncset.done $0x0  }
0xf4: {  	[sflag:s18] =	ssyncadd.s32 $0xFFFFC000  }
0xf5: {  	v2 =	vld.msk [tilespmem:s24+$0xFFFFFF00], $0x3;
	_ =	sdelay $0x4  }
0xf6: {  	v3 =	vshll.u32 v2, $0x6  }
0xf7: {  	v2 =	vand.u32 $0x7, v2;
	v3 =	vand.u32 $0xFFFFFE00, v3  }
0xf8: {  	v2 =	vor.u32 v2, v3  }
0xf9: {  	v2 =	vperm.xlane v2, v0;
	_ =	sdelay $0x1  }
0xfa: {  	v2 =	vadd.s32 v1, v2;
	_ =	sdelay $0x4  }
0xfb: {  	[tilespmem:s17], [sflag:$0x1] =	stream.indirect_vreg.gather [hbm4b:s2+s3], $0x80, v2, vm0, $0xb8;
	[tilespmem:$0x14000] =	vst v63  }
0xfc: {  	s15 =	simm.s32 $0x4800  }
0xfd: {  	[tilespmem:s15], [sflag:$0x1] =	stream.indirect_vreg.gather [hbm4b:s5+s3], $0x80, v2, vm0, $0xb8;
	[tilespmem:$0x14000] =	vst v63  }
0xfe: {  	s15 =	simm.s32 $0x5000  }
0xff: {  	[tilespmem:s15], [sflag:$0x1] =	stream.indirect_vreg.gather [hbm4b:s6+s3], $0x80, v2, vm0, $0xb8;
	[tilespmem:$0x14000] =	vst v63  }
0x100: {  	_ = 	snop  }
0x101: {  	[tilespmem:s14], [sflag:$0x1] =	stream.indirect_vreg.gather [hbm4b:s7+s3], $0x80, v2, vm0, $0xb8;
	[tilespmem:$0x14000] =	vst v63  }
0x102: {  	s15 =	simm.s32 $0x6000  }
0x103: {  	[tilespmem:s15], [sflag:$0x1] =	stream.indirect_vreg.gather [hbm4b:s8+s3], $0x80, v2, vm0, $0xb8;
	[tilespmem:$0x14000] =	vst v63  }
0x104: {  	_ = 	snop  }
0x105: {  	[tilespmem:s22], [sflag:$0x1] =	stream.indirect_vreg.gather [hbm4b:s9+s3], $0x80, v2, vm0, $0xb8;
	[tilespmem:$0x14000] =	vst v63  }
0x106: {  	s17 =	simm.s32 $0x7000  }
0x107: {  	[tilespmem:s17], [sflag:$0x1] =	stream.indirect_vreg.gather [hbm4b:s10+s3], $0x80, v2, vm0, $0xb8;
	[tilespmem:$0x14000] =	vst v63  }
0x108: {  	s15 =	simm.s32 $0x7800  }
0x109: {  	[tilespmem:s15], [sflag:$0x1] =	stream.indirect_vreg.gather [hbm4b:s11+s3], $0x80, v2, vm0, $0xb8;
	[tilespmem:$0x14000] =	vst v63  }
0x10a: {  	_ =	swait.ge [sflag:s19], $0x4000  }
0x10b: {  	[sflag:s19] =	ssyncset.done $0x0  }
0x10c: {  	s1 =	sadd.s32 $0x2040, s0;
	s15 =	simm.s32 $0xC000;
	[sflag:s19] =	ssyncadd.s32 $0xFFFFC000  }
0x10d: {  	[hbm4b:s1+s26] =	stream.strided.scatter [tilespmem:s15], [sflag:$0x7], $0x4000, s28, s26, $0x38;
	[tilespmem:$0x14000] =	vst v63  }
0x10e: {  	_ =	swait.ge [sflag:s20], $0x4000  }
0x10f: {  	[sflag:s20] =	ssyncset.done $0x0  }
0x110: {  	[sflag:s20] =	ssyncadd.s32 $0xFFFFC000  }
0x111: {  	v2 =	vld.msk [tilespmem:s24+$0xFFFFFF80], $0x3;
	_ =	sdelay $0x4  }
0x112: {  	v3 =	vshll.u32 v2, $0x6  }
0x113: {  	v2 =	vand.u32 $0x7, v2;
	v3 =	vand.u32 $0xFFFFFE00, v3  }
0x114: {  	v2 =	vor.u32 v2, v3  }
0x115: {  	v2 =	vperm.xlane v2, v0;
	_ =	sdelay $0x1  }
0x116: {  	v2 =	vadd.s32 v1, v2;
	_ =	sdelay $0x4  }
0x117: {  	[tilespmem:s29], [sflag:$0x2] =	stream.indirect_vreg.gather [hbm4b:s2+s3], $0x80, v2, vm0, $0xb8;
	[tilespmem:$0x14000] =	vst v63  }
0x118: {  	s29 =	simm.s32 $0x8800  }
0x119: {  	[tilespmem:s29], [sflag:$0x2] =	stream.indirect_vreg.gather [hbm4b:s5+s3], $0x80, v2, vm0, $0xb8;
	[tilespmem:$0x14000] =	vst v63  }
0x11a: {  	_ = 	snop  }
0x11b: {  	[tilespmem:s13], [sflag:$0x2] =	stream.indirect_vreg.gather [hbm4b:s6+s3], $0x80, v2, vm0, $0xb8;
	[tilespmem:$0x14000] =	vst v63  }
0x11c: {  	s29 =	simm.s32 $0x9800  }
0x11d: {  	[tilespmem:s29], [sflag:$0x2] =	stream.indirect_vreg.gather [hbm4b:s7+s3], $0x80, v2, vm0, $0xb8;
	[tilespmem:$0x14000] =	vst v63  }
0x11e: {  	s29 =	simm.s32 $0xA000  }
0x11f: {  	[tilespmem:s29], [sflag:$0x2] =	stream.indirect_vreg.gather [hbm4b:s8+s3], $0x80, v2, vm0, $0xb8;
	[tilespmem:$0x14000] =	vst v63  }
0x120: {  	s29 =	simm.s32 $0xA800  }
0x121: {  	[tilespmem:s29], [sflag:$0x2] =	stream.indirect_vreg.gather [hbm4b:s9+s3], $0x80, v2, vm0, $0xb8;
	[tilespmem:$0x14000] =	vst v63  }
0x122: {  	s29 =	simm.s32 $0xB000  }
0x123: {  	[tilespmem:s29], [sflag:$0x2] =	stream.indirect_vreg.gather [hbm4b:s10+s3], $0x80, v2, vm0, $0xb8;
	[tilespmem:$0x14000] =	vst v63  }
0x124: {  	s29 =	simm.s32 $0xB800  }
0x125: {  	[tilespmem:s29], [sflag:$0x2] =	stream.indirect_vreg.gather [hbm4b:s11+s3], $0x80, v2, vm0, $0xb8;
	[tilespmem:$0x14000] =	vst v63  }
0x126: {  	_ =	swait.ge [sflag:s12], $0x4000  }
0x127: {  	[sflag:s12] =	ssyncset.done $0x0  }
0x128: {  	s0 =	sadd.s32 $0x2060, s0;
	[sflag:s12] =	ssyncadd.s32 $0xFFFFC000  }
0x129: {  	[hbm4b:s0+s26] =	stream.strided.scatter [tilespmem:s4], [sflag:$0x8], $0x4000, s28, s26, $0x38;
	[tilespmem:$0x14000] =	vst v63  }
0x12a: {  	_ =	swait.ge [sflag:s21], $0x4000  }
0x12b: {  	[sflag:s21] =	ssyncset.done $0x0  }
0x12c: {  	[sflag:s21] =	ssyncadd.s32 $0xFFFFC000  }
0x12d: {  	v2 =	vld.msk [tilespmem:s24+$0x0], $0x3;
	_ =	sdelay $0x4  }
0x12e: {  	v3 =	vshll.u32 v2, $0x6  }
0x12f: {  	v2 =	vand.u32 $0x7, v2;
	v3 =	vand.u32 $0xFFFFFE00, v3  }
0x130: {  	v2 =	vor.u32 v2, v3  }
0x131: {  	v2 =	vperm.xlane v2, v0;
	_ =	sdelay $0x1  }
0x132: {  	v2 =	vadd.s32 v1, v2;
	_ =	sdelay $0x4  }
0x133: {  	[tilespmem:s15], [sflag:$0x3] =	stream.indirect_vreg.gather [hbm4b:s2+s3], $0x80, v2, vm0, $0xb8;
	[tilespmem:$0x14000] =	vst v63  }
0x134: {  	s15 =	simm.s32 $0xC800  }
0x135: {  	[tilespmem:s15], [sflag:$0x3] =	stream.indirect_vreg.gather [hbm4b:s5+s3], $0x80, v2, vm0, $0xb8;
	[tilespmem:$0x14000] =	vst v63  }
0x136: {  	s4 =	simm.s32 $0xD000  }
0x137: {  	[tilespmem:s4], [sflag:$0x3] =	stream.indirect_vreg.gather [hbm4b:s6+s3], $0x80, v2, vm0, $0xb8;
	[tilespmem:$0x14000] =	vst v63  }
0x138: {  	s15 =	simm.s32 $0xD800  }
0x139: {  	[tilespmem:s15], [sflag:$0x3] =	stream.indirect_vreg.gather [hbm4b:s7+s3], $0x80, v2, vm0, $0xb8;
	[tilespmem:$0x14000] =	vst v63  }
0x13a: {  	s4 =	simm.s32 $0xE000  }
0x13b: {  	[tilespmem:s4], [sflag:$0x3] =	stream.indirect_vreg.gather [hbm4b:s8+s3], $0x80, v2, vm0, $0xb8;
	[tilespmem:$0x14000] =	vst v63  }
0x13c: {  	p0 =	sne.s32 s30, $0x3A000;
	s15 =	simm.s32 $0xE800  }
0x13d: {  	[tilespmem:s15], [sflag:$0x3] =	stream.indirect_vreg.gather [hbm4b:s9+s3], $0x80, v2, vm0, $0xb8;
	[tilespmem:$0x14000] =	vst v63  }
.Ltmp0:
0x13e: {  	s31 =	simm.s32 $0x4000;
	(pc) =	sbr.rel @p0 .LBB2_2-.Ltmp0, $4  }
0x13f: {  	s30 =	sadd.s32 $0x2000, s30;
	s1 =	simm.s32 $0x8000;
	s4 =	simm.s32 $0xF000  }
0x140: {  	[tilespmem:s4], [sflag:$0x3] =	stream.indirect_vreg.gather [hbm4b:s10+s3], $0x80, v2, vm0, $0xb8;
	[tilespmem:$0x14000] =	vst v63  }
0x141: {  	s29 =	simm.s32 $0xC000;
	s24 =	sadd.s32 $0x200, s24;
	s15 =	simm.s32 $0xF800  }
0x142: {  	[tilespmem:s15], [sflag:$0x3] =	stream.indirect_vreg.gather [hbm4b:s11+s3], $0x80, v2, vm0, $0xb8;
	[tilespmem:$0x14000] =	vst v63  }
0x143: {  	_ =	swait.ge [sflag:s25], $0x4000  }
0x144: {  	[sflag:s25] =	ssyncset.done $0x0  }
0x145: {  	s0 =	rddreg [dreg:$0xa];
	[sflag:s25] =	ssyncadd.s32 $0xFFFFC000  }
0x146: {  	[hbm4b:s0+s26] =	stream.strided.scatter [tilespmem:s31], [sflag:$0x5], $0x4000, s28, s26, $0x38;
	[tilespmem:$0x14000] =	vst v63  }
0x147: {  	_ =	swait.ge [sflag:s23], $0x4000  }
0x148: {  	[sflag:s23] =	ssyncset.done $0x0  }
0x149: {  	[sflag:s23] =	ssyncadd.s32 $0xFFFFC000  }
0x14a: {  	v2 =	vld.msk [tilespmem:$0x3F80], $0x3;
	_ =	sdelay $0x4  }
0x14b: {  	v3 =	vshll.u32 v2, $0x6  }
0x14c: {  	v2 =	vand.u32 $0x7, v2;
	v3 =	vand.u32 $0xFFFFFE00, v3  }
0x14d: {  	v2 =	vor.u32 v2, v3  }
0x14e: {  	v2 =	vperm.xlane v2, v0;
	_ =	sdelay $0x1  }
0x14f: {  	v2 =	vadd.s32 v1, v2;
	_ =	sdelay $0x3  }
0x150: {  	s4 =	simm.s32 $0x10000  }
0x151: {  	[tilespmem:s4], [sflag:$0x4] =	stream.indirect_vreg.gather [hbm4b:s2+s3], $0x80, v2, vm0, $0xb8;
	[tilespmem:$0x14000] =	vst v63  }
0x152: {  	s13 =	simm.s32 $0x10800  }
0x153: {  	[tilespmem:s13], [sflag:$0x4] =	stream.indirect_vreg.gather [hbm4b:s5+s3], $0x80, v2, vm0, $0xb8;
	[tilespmem:$0x14000] =	vst v63  }
0x154: {  	s14 =	simm.s32 $0x11000  }
0x155: {  	[tilespmem:s14], [sflag:$0x4] =	stream.indirect_vreg.gather [hbm4b:s6+s3], $0x80, v2, vm0, $0xb8;
	[tilespmem:$0x14000] =	vst v63  }
0x156: {  	s15 =	simm.s32 $0x11800  }
0x157: {  	[tilespmem:s15], [sflag:$0x4] =	stream.indirect_vreg.gather [hbm4b:s7+s3], $0x80, v2, vm0, $0xb8;
	[tilespmem:$0x14000] =	vst v63  }
0x158: {  	s22 =	simm.s32 $0x12000  }
0x159: {  	[tilespmem:s22], [sflag:$0x4] =	stream.indirect_vreg.gather [hbm4b:s8+s3], $0x80, v2, vm0, $0xb8;
	[tilespmem:$0x14000] =	vst v63  }
0x15a: {  	s24 =	simm.s32 $0x12800  }
0x15b: {  	[tilespmem:s24], [sflag:$0x4] =	stream.indirect_vreg.gather [hbm4b:s9+s3], $0x80, v2, vm0, $0xb8;
	[tilespmem:$0x14000] =	vst v63  }
0x15c: {  	s13 =	simm.s32 $0x13000  }
0x15d: {  	[tilespmem:s13], [sflag:$0x4] =	stream.indirect_vreg.gather [hbm4b:s10+s3], $0x80, v2, vm0, $0xb8;
	[tilespmem:$0x14000] =	vst v63  }
0x15e: {  	s14 =	simm.s32 $0x13800  }
0x15f: {  	[tilespmem:s14], [sflag:$0x4] =	stream.indirect_vreg.gather [hbm4b:s11+s3], $0x80, v2, vm0, $0xb8;
	[tilespmem:$0x14000] =	vst v63  }
0x160: {  	_ =	swait.ge [sflag:s16], $0x4000  }
0x161: {  	[sflag:s16] =	ssyncset.done $0x0  }
0x162: {  	s15 =	rddreg [dreg:$0xb];
	[sflag:s16] =	ssyncadd.s32 $0xFFFFC000  }
0x163: {  	[hbm4b:s15+s26] =	stream.strided.scatter [tilespmem:s1], [sflag:$0x6], $0x4000, s28, s26, $0x38;
	[tilespmem:$0x14000] =	vst v63  }
0x164: {  	_ =	swait.ge [sflag:s18], $0x4000  }
0x165: {  	[sflag:s18] =	ssyncset.done $0x0  }
0x166: {  	[sflag:s18] =	ssyncadd.s32 $0xFFFFC000  }
0x167: {  	_ =	swait.ge [sflag:s19], $0x4000  }
0x168: {  	[sflag:s19] =	ssyncset.done $0x0  }
0x169: {  	s22 =	rddreg [dreg:$0xc];
	[sflag:s19] =	ssyncadd.s32 $0xFFFFC000  }
0x16a: {  	[hbm4b:s22+s26] =	stream.strided.scatter [tilespmem:s29], [sflag:$0x7], $0x4000, s28, s26, $0x38;
	[tilespmem:$0x14000] =	vst v63  }
0x16b: {  	_ =	swait.ge [sflag:s20], $0x4000  }
0x16c: {  	[sflag:s20] =	ssyncset.done $0x0  }
0x16d: {  	[sflag:s20] =	ssyncadd.s32 $0xFFFFC000  }
0x16e: {  	_ =	swait.ge [sflag:s12], $0x4000  }
0x16f: {  	[sflag:s12] =	ssyncset.done $0x0  }
0x170: {  	s24 =	rddreg [dreg:$0xd];
	[sflag:s12] =	ssyncadd.s32 $0xFFFFC000  }
0x171: {  	[hbm4b:s24+s26] =	stream.strided.scatter [tilespmem:s4], [sflag:$0x8], $0x4000, s28, s26, $0x38;
	[tilespmem:$0x14000] =	vst v63  }
0x172: {  	_ =	swait.ge [sflag:s21], $0x4000  }
0x173: {  	[sflag:s21] =	ssyncset.done $0x0  }
0x174: {  	[sflag:s21] =	ssyncadd.s32 $0xFFFFC000  }
0x175: {  	_ =	swait.ge [sflag:s23], $0x4000  }
0x176: {  	s22 =	rddreg [dreg:$0xf]  }
0x177: {  	s29 =	rddreg [dreg:$0xe];
	s22 =	sadd.s32 $0x1, s22  }
0x178: {  	p0 =	sne.s32 s22, s29  }
.Ltmp1:
0x179: {  	_ = 	snop;
	(pc) =	sbr.rel @p0 .LBB2_1-.Ltmp1, $4  }
0x17a: {  	s30 =	simm.s32 $0x8800  }
0x17b: {  	s31 =	simm.s32 $0x9000;
	s13 =	simm.s32 $0x5800;
	s14 =	simm.s32 $0x6000  }
0x17c: {  	s1 =	simm.s32 $0x4800;
	s15 =	simm.s32 $0x6800;
	[sflag:s23] =	ssyncset.done $0x0  }
0x17d: {  	s4 =	simm.s32 $0x5000;
	s24 =	simm.s32 $0x7800;
	[sflag:s23] =	ssyncadd.s32 $0xFFFFC000  }
0x17e: {  	_ =	sfence.sel $0x180000  }
0x17f: {  	[bflag:$0x0] =	sbarrier.arrive $0xFFFF  }
0x180: {  	_ =	strace $0x90000047  }
0x181: {  	s0 =	stileid.u32;
	[bflag:$0x2] =	sbarrier.arrive $0xFFFF  }
0x182: {  	p0 =	sne.s32 s0, $0x0;
	s0 =	rddreg [dreg:$0x3]  }
0x183: {  	s0 =	sadd.s32 @!p0 $0x100000, s0  }
0x184: {  	[sflag:s0] =	ssyncadd.tile.s32 @!p0 $0x1;
	_ =	shalt  }
.Lfunc_end2:
_tile_overlayer_lowered:
.L_overlay_start_2:
0x185: {  	(tag) =	ssettag $0x2  }
0x186: {  	s0 =	rddreg [dreg:$0x0];
	s2 =	stileid.u32  }
0x187: {  	s1 =	rddreg [dreg:$0x1];
	p0 =	sne.s32 s2, $0x0  }
0x188: {  	s3 =	rddreg [dreg:$0x2];
	[bflag:$0x3] =	sbarrier.arrive $0xFFFF;
	s2 =	simm.s32 @!p0 $0x1C09  }
0x189: {  	[timem:s3], [sflag:s2] =	dma.local @!p0 [hbm:s0], s1  }
0x18a: {  	s0 =	simm.s32 @!p0 $0x9  }
0x18b: {  	_ =	swait.ge @!p0 [sflag:s0], s1  }
0x18c: {  	s1 =	ssub.s32 @!p0 $0x0, s1;
	[sflag:s0] =	ssyncset.done @!p0 $0x0  }
0x18d: {  	[sflag:s0] =	ssyncadd.s32 @!p0 s1  }
0x18e: {  	[bflag:$0x3] =	sbarrier.arrive $0xFFFF  }
0x18f: {  	_ =	shalt  }

</sc_bundles>
